<compile_context>
chip_gen: v7x
topology: tpu7x:2x2x1
jax: 0.10.2.dev20260603
libtpu: 0.0.44.dev20260713+nightly
codegen_flags: <defaults>
</compile_context>

<pallas_src>
import jax
import jax.numpy as jnp
from jax import lax
from jax.experimental import pallas as pl
from jax.experimental.pallas import tpu as pltpu
from jax.experimental.pallas import tpu_sc as plsc

N_EMB = 8192
DIM = 256
M_TOK = 16384
BM = 512
GM = M_TOK // BM

_NC = 2
_NS = 16
_NW = _NC * _NS
_BW = M_TOK // _NW
_CH = 128


_B1 = 2736
_B2 = 5472
_RANGES = ((0, _B1), (_B1, _B2), (_B2, N_EMB))


def _bf16_round(x):
    u = lax.bitcast_convert_type(x, jnp.uint32)
    r = (u + jnp.uint32(0x7FFF) + ((u >> jnp.uint32(16)) & jnp.uint32(1))) \
        & jnp.uint32(0xFFFF0000)
    return lax.bitcast_convert_type(r, jnp.float32)


def _argmin_body(x_ref, e0_ref, e1_ref, e2_ref, a_ref,
                 b0_ref, b1_ref, b2_ref, idx_ref, dsum_ref):
    i = pl.program_id(0)
    x = x_ref[...]
    a = a_ref[...]
    runs = []
    for (rlo, rhi), e_ref, b_ref in zip(
            _RANGES, (e0_ref, e1_ref, e2_ref), (b0_ref, b1_ref, b2_ref)):
        cn = rhi - rlo
        m = lax.dot_general(x, e_ref[...], (((1,), (1,)), ((), ())),
                            preferred_element_type=jnp.float32)
        d = (a + b_ref[...]) - 2.0 * m
        col = lax.broadcasted_iota(jnp.int32, (BM, cn), 1) + rlo
        cmin = jnp.min(d, axis=1, keepdims=True)
        cidx = jnp.min(jnp.where(d == cmin, col, jnp.int32(N_EMB)),
                       axis=1, keepdims=True)
        runs.append((cmin, cidx))
    (m_a, i_a), (m_b, i_b), (m_c, i_c) = runs
    vq = _bf16_round(m_a)
    idx = i_a
    dsel = m_a
    take = m_b < vq
    idx = jnp.where(take, i_b, idx)
    dsel = jnp.where(take, m_b, dsel)
    vq = jnp.where(take, _bf16_round(m_b), vq)
    take = m_c < vq
    idx = jnp.where(take, i_c, idx)
    dsel = jnp.where(take, m_c, dsel)
    idx_ref[...] = idx

    @pl.when(i == 0)
    def _():
        dsum_ref[...] = jnp.zeros((1, 1), jnp.float32)

    dsum_ref[...] += jnp.sum(dsel, axis=0, keepdims=True)


def _dist_argmin(x, e, a, b):
    e_parts = [e[lo:hi] for lo, hi in _RANGES]
    b_parts = [b[:, lo:hi] for lo, hi in _RANGES]
    e_specs = [pl.BlockSpec((hi - lo, DIM), lambda i: (0, 0))
               for lo, hi in _RANGES]
    b_specs = [pl.BlockSpec((1, hi - lo), lambda i: (0, 0))
               for lo, hi in _RANGES]
    return pl.pallas_call(
        _argmin_body,
        grid=(GM,),
        in_specs=[pl.BlockSpec((BM, DIM), lambda i: (i, 0))] + e_specs
                 + [pl.BlockSpec((BM, 1), lambda i: (i, 0))] + b_specs,
        out_specs=[
            pl.BlockSpec((BM, 1), lambda i: (i, 0)),
            pl.BlockSpec((1, 1), lambda i: (0, 0)),
        ],
        out_shape=[
            jax.ShapeDtypeStruct((M_TOK, 1), jnp.int32),
            jax.ShapeDtypeStruct((1, 1), jnp.float32),
        ],
    )(x, *e_parts, a, *b_parts)


def _sc_body(e_hbm, idxf_hbm, q_hbm, hist_hbm,
             idxf_v, rows_v, hist_v, sem):
    wid = lax.axis_index("s") * _NC + lax.axis_index("c")
    base = wid * _BW
    pltpu.sync_copy(idxf_hbm.at[pl.ds(base, _BW)], idxf_v)

    for c in range(_BW // _CH):
        pltpu.async_copy(e_hbm.at[idxf_v.at[pl.ds(c * _CH, _CH)]],
                         rows_v, sem).wait()
        pltpu.sync_copy(rows_v, q_hbm.at[pl.ds(base + c * _CH, _CH)])

    def _zbody(i, carry):
        hist_v[pl.ds(i * 16, 16)] = jnp.zeros((16,), jnp.float32)
        return carry

    lax.fori_loop(0, N_EMB // 16, _zbody, 0)

    ones16 = jnp.ones((16,), jnp.float32)

    def _sbody(g, carry):
        iv = idxf_v[pl.ds(g * 16, 16)]
        plsc.addupdate_scatter(hist_v, [iv], ones16)
        return carry

    lax.fori_loop(0, _BW // 16, _sbody, 0)

    pltpu.sync_copy(hist_v, hist_hbm.at[wid])


def _sc_gather_hist(e, idx_flat):
    mesh = plsc.VectorSubcoreMesh(core_axis_name="c", subcore_axis_name="s")
    kern = pl.kernel(
        _sc_body,
        mesh=mesh,
        compiler_params=pltpu.CompilerParams(needs_layout_passes=False),
        out_type=[
            jax.ShapeDtypeStruct((M_TOK, DIM), jnp.float32),
            jax.ShapeDtypeStruct((_NW, N_EMB), jnp.float32),
        ],
        scratch_types=[
            pltpu.VMEM((_BW,), jnp.int32),
            pltpu.VMEM((_CH, DIM), jnp.float32),
            pltpu.VMEM((N_EMB,), jnp.float32),
            pltpu.SemaphoreType.DMA,
        ],
    )
    return kern(e, idx_flat)


def _scalar_body(hist_ref, dsum_ref, loss_ref, perp_ref):
    counts = jnp.sum(hist_ref[...], axis=0, keepdims=True)
    avg = counts * (1.0 / M_TOK)
    ent = avg * jnp.log(avg + 1e-10)
    perp_ref[...] = jnp.exp(-jnp.sum(ent, axis=1, keepdims=True))
    loss_ref[...] = dsum_ref[...] * (1.25 / (M_TOK * DIM))


def _scalars(hist_parts, dsum):
    return pl.pallas_call(
        _scalar_body,
        out_shape=[
            jax.ShapeDtypeStruct((1, 1), jnp.float32),
            jax.ShapeDtypeStruct((1, 1), jnp.float32),
        ],
    )(hist_parts, dsum)


def kernel(inputs, embedding_weight):
    input_shape = inputs.shape
    flat = inputs.reshape(-1, DIM)
    a = jnp.sum(flat ** 2, axis=1, keepdims=True)
    b = jnp.sum(embedding_weight ** 2, axis=1)[None, :]

    idx2, dsum = _dist_argmin(flat, embedding_weight, a, b)
    idx_flat = idx2.reshape(M_TOK)

    quantized, hist_parts = _sc_gather_hist(embedding_weight, idx_flat)
    loss_m, perp_m = _scalars(hist_parts, dsum)

    loss = loss_m[0, 0]
    perplexity = perp_m[0, 0]
    quantized_st = quantized.reshape(input_shape)
    indices = idx_flat.reshape(input_shape[0], -1)
    return (loss, quantized_st, perplexity, indices)

# --- scband reference (transcript-rebuilt; emitter-appended) ---
"""Pipeline reference for scband-vector-quantizer-ema-31482110279967 (READ-ONLY COPY).

The authoritative reference and input builder live on the scoring server;
editing this copy changes nothing except your own understanding.
"""

import jax, jax.numpy as jnp
import numpy as np

NUM_EMBEDDINGS = 8192
EMBEDDING_DIM = 256
COMMITMENT_COST = 0.25


def setup_inputs(seed: int = 0) -> dict:
    key = jax.random.key(seed)
    k1, k2 = jax.random.split(key)
    inputs = jax.random.normal(k1, (16, 1024, EMBEDDING_DIM), dtype=jnp.float32)
    embedding_weight = jax.random.uniform(
        k2, (NUM_EMBEDDINGS, EMBEDDING_DIM),
        minval=-1.0 / NUM_EMBEDDINGS, maxval=1.0 / NUM_EMBEDDINGS,
        dtype=jnp.float32)
    return {"inputs": inputs, "embedding_weight": embedding_weight}


def reference(inputs, embedding_weight):
    input_shape = inputs.shape
    flat_input = inputs.reshape(-1, EMBEDDING_DIM)
    distances = (jnp.sum(flat_input ** 2, axis=1, keepdims=True)
                 + jnp.sum(embedding_weight ** 2, axis=1)
                 - 2.0 * jnp.matmul(flat_input, embedding_weight.T))
    encoding_indices = jnp.argmin(distances, axis=1)[:, None]
    encodings = jax.nn.one_hot(encoding_indices[:, 0], NUM_EMBEDDINGS, dtype=jnp.float32)
    quantized = jnp.matmul(encodings, embedding_weight).reshape(input_shape)
    # eval-mode forward: EMA buffer updates are skipped (self.training == False)
    e_latent_loss = jnp.mean((jax.lax.stop_gradient(quantized) - inputs) ** 2)
    q_latent_loss = jnp.mean((quantized - jax.lax.stop_gradient(inputs)) ** 2)
    loss = q_latent_loss + COMMITMENT_COST * e_latent_loss
    quantized_st = inputs + jax.lax.stop_gradient(quantized - inputs)
    avg_probs = jnp.mean(encodings, axis=0)
    perplexity = jnp.exp(-jnp.sum(avg_probs * jnp.log(avg_probs + 1e-10)))
    indices_for_transformer = encoding_indices.reshape(input_shape[0], -1)
    return (loss, quantized_st, perplexity, indices_for_transformer)

if __name__ == "__main__":
    import jax
    _d = setup_inputs()
    print(jax.jit(kernel)(*tuple(_d.values())))

</pallas_src>

<mosaic_0001>
#map = affine_map<(d0, d1) -> (0, 0)>
#map1 = affine_map<(d0, d1) -> (0)>
module attributes {stable_mosaic.version = 14 : i64} {
  func.func @_sc_body(%arg0: i32, %arg1: i32, %arg2: memref<8192x256xf32, #tpu.memory_space<hbm>>, %arg3: memref<16384xi32, #tpu.memory_space<hbm>>, %arg4: memref<16384x256xf32, #tpu.memory_space<hbm>>, %arg5: memref<32x8192xf32, #tpu.memory_space<hbm>>, %arg6: memref<512xi32, #tpu.memory_space<vmem>>, %arg7: memref<128x256xf32, #tpu.memory_space<vmem>>, %arg8: memref<8192xf32, #tpu.memory_space<vmem>>, %arg9: memref<!tpu.dma_semaphore, #tpu.memory_space<semaphore_mem>>) attributes {dimension_semantics = [#tpu.dimension_semantics<core_parallel>, #tpu.dimension_semantics<subcore_parallel>], iteration_bounds = array<i64: 2, 16>, scalar_prefetch = 0 : i64, scratch_operands = 4 : i64, tpu.core_type = #tpu.core_type<sc_vector_subcore>, window_params = [{transform_indices = #map}, {transform_indices = #map1}, {transform_indices = #map}, {transform_indices = #map}]} {
    %mul3A = arith.constant 2 : i32
    %mul3A_0 = arith.muli %arg1, %mul3A : i32
    %add3A = arith.addi %mul3A_0, %arg0 : i32
    %mul3A_1 = arith.constant 512 : i32
    %mul3A_2 = arith.muli %add3A, %mul3A_1 : i32
    "tpu.region"() ({
      %run_scoped3A = tpu.sem_alloc : memref<!tpu.dma_semaphore, #tpu.memory_space<semaphore_mem>>
      %dma_start3A_61 = tpu.memref_slice %arg3[%mul3A_2] : memref<16384xi32, #tpu.memory_space<hbm>> -> memref<512xi32, #tpu.memory_space<hbm>>
      %dma_start3A_62 = tpu.memref_slice %arg3[%mul3A_2] : memref<16384xi32, #tpu.memory_space<hbm>> -> memref<512xi32, #tpu.memory_space<hbm>>
      tpu.enqueue_dma source(%dma_start3A_62 : memref<512xi32, #tpu.memory_space<hbm>>) target(%arg6 : memref<512xi32, #tpu.memory_space<vmem>>) target_semaphore(%run_scoped3A : memref<!tpu.dma_semaphore, #tpu.memory_space<semaphore_mem>>)
      %dma_wait3A_63 = tpu.memref_slice %arg3[%mul3A_2] : memref<16384xi32, #tpu.memory_space<hbm>> -> memref<512xi32, #tpu.memory_space<hbm>>
      %dma_wait3A_64 = tpu.memref_slice %arg3[%mul3A_2] : memref<16384xi32, #tpu.memory_space<hbm>> -> memref<512xi32, #tpu.memory_space<hbm>>
      tpu.wait_dma2 semaphore(%run_scoped3A : memref<!tpu.dma_semaphore, #tpu.memory_space<semaphore_mem>>) src(%dma_wait3A_64 : memref<512xi32, #tpu.memory_space<hbm>>) dst(%arg6 : memref<512xi32, #tpu.memory_space<vmem>>)
      tpu.yield
    }) : () -> ()
    %dma_start3A = arith.constant 0 : i32
    %dma_start3A_3 = tpu.memref_slice %arg6[%dma_start3A] : memref<512xi32, #tpu.memory_space<vmem>> -> memref<128xi32, #tpu.memory_space<vmem>>
    %dma_start3A_4 = arith.constant 0 : i32
    %dma_start3A_5 = arith.constant 0 : i32
    %dma_start3A_6 = tpu.memref_slice %arg2[%dma_start3A_4, %dma_start3A_5] : memref<8192x256xf32, #tpu.memory_space<hbm>> -> memref<8192x256xf32, #tpu.memory_space<hbm>>
    tpu.enqueue_indirect_dma source(%dma_start3A_6 : memref<8192x256xf32, #tpu.memory_space<hbm>>) target(%arg7 : memref<128x256xf32, #tpu.memory_space<vmem>>) offsets(%dma_start3A_3 : memref<128xi32, #tpu.memory_space<vmem>>) semaphore(%arg9 : memref<!tpu.dma_semaphore, #tpu.memory_space<semaphore_mem>>)
    %dma_wait3A = arith.constant 0 : i32
    %dma_wait3A_7 = tpu.memref_slice %arg6[%dma_wait3A] : memref<512xi32, #tpu.memory_space<vmem>> -> memref<128xi32, #tpu.memory_space<vmem>>
    %dma_wait3A_8 = arith.constant 0 : i32
    %dma_wait3A_9 = arith.constant 0 : i32
    %dma_wait3A_10 = tpu.memref_slice %arg2[%dma_wait3A_8, %dma_wait3A_9] : memref<8192x256xf32, #tpu.memory_space<hbm>> -> memref<8192x256xf32, #tpu.memory_space<hbm>>
    tpu.wait_indirect_dma semaphore(%arg9 : memref<!tpu.dma_semaphore, #tpu.memory_space<semaphore_mem>>) src(%dma_wait3A_10 : memref<8192x256xf32, #tpu.memory_space<hbm>>) dst(%arg7 : memref<128x256xf32, #tpu.memory_space<vmem>>)
    %add3A_11 = arith.constant 0 : i32
    %add3A_12 = arith.addi %mul3A_2, %add3A_11 : i32
    "tpu.region"() ({
      %run_scoped3A = tpu.sem_alloc : memref<!tpu.dma_semaphore, #tpu.memory_space<semaphore_mem>>
      %dma_start3A_61 = arith.constant 0 : i32
      %dma_start3A_62 = tpu.memref_slice %arg4[%add3A_12, %dma_start3A_61] : memref<16384x256xf32, #tpu.memory_space<hbm>> -> memref<128x256xf32, #tpu.memory_space<hbm>>
      %dma_start3A_63 = arith.constant 0 : i32
      %dma_start3A_64 = tpu.memref_slice %arg4[%add3A_12, %dma_start3A_63] : memref<16384x256xf32, #tpu.memory_space<hbm>> -> memref<128x256xf32, #tpu.memory_space<hbm>>
      tpu.enqueue_dma source(%arg7 : memref<128x256xf32, #tpu.memory_space<vmem>>) target(%dma_start3A_64 : memref<128x256xf32, #tpu.memory_space<hbm>>) target_semaphore(%run_scoped3A : memref<!tpu.dma_semaphore, #tpu.memory_space<semaphore_mem>>)
      %dma_wait3A_65 = arith.constant 0 : i32
      %dma_wait3A_66 = tpu.memref_slice %arg4[%add3A_12, %dma_wait3A_65] : memref<16384x256xf32, #tpu.memory_space<hbm>> -> memref<128x256xf32, #tpu.memory_space<hbm>>
      %dma_wait3A_67 = arith.constant 0 : i32
      %dma_wait3A_68 = tpu.memref_slice %arg4[%add3A_12, %dma_wait3A_67] : memref<16384x256xf32, #tpu.memory_space<hbm>> -> memref<128x256xf32, #tpu.memory_space<hbm>>
      tpu.wait_dma2 semaphore(%run_scoped3A : memref<!tpu.dma_semaphore, #tpu.memory_space<semaphore_mem>>) src(%arg7 : memref<128x256xf32, #tpu.memory_space<vmem>>) dst(%dma_wait3A_68 : memref<128x256xf32, #tpu.memory_space<hbm>>)
      tpu.yield
    }) : () -> ()
    %dma_start3A_13 = arith.constant 128 : i32
    %dma_start3A_14 = tpu.memref_slice %arg6[%dma_start3A_13] : memref<512xi32, #tpu.memory_space<vmem>> -> memref<128xi32, #tpu.memory_space<vmem>>
    %dma_start3A_15 = arith.constant 0 : i32
    %dma_start3A_16 = arith.constant 0 : i32
    %dma_start3A_17 = tpu.memref_slice %arg2[%dma_start3A_15, %dma_start3A_16] : memref<8192x256xf32, #tpu.memory_space<hbm>> -> memref<8192x256xf32, #tpu.memory_space<hbm>>
    tpu.enqueue_indirect_dma source(%dma_start3A_17 : memref<8192x256xf32, #tpu.memory_space<hbm>>) target(%arg7 : memref<128x256xf32, #tpu.memory_space<vmem>>) offsets(%dma_start3A_14 : memref<128xi32, #tpu.memory_space<vmem>>) semaphore(%arg9 : memref<!tpu.dma_semaphore, #tpu.memory_space<semaphore_mem>>)
    %dma_wait3A_18 = arith.constant 128 : i32
    %dma_wait3A_19 = tpu.memref_slice %arg6[%dma_wait3A_18] : memref<512xi32, #tpu.memory_space<vmem>> -> memref<128xi32, #tpu.memory_space<vmem>>
    %dma_wait3A_20 = arith.constant 0 : i32
    %dma_wait3A_21 = arith.constant 0 : i32
    %dma_wait3A_22 = tpu.memref_slice %arg2[%dma_wait3A_20, %dma_wait3A_21] : memref<8192x256xf32, #tpu.memory_space<hbm>> -> memref<8192x256xf32, #tpu.memory_space<hbm>>
    tpu.wait_indirect_dma semaphore(%arg9 : memref<!tpu.dma_semaphore, #tpu.memory_space<semaphore_mem>>) src(%dma_wait3A_22 : memref<8192x256xf32, #tpu.memory_space<hbm>>) dst(%arg7 : memref<128x256xf32, #tpu.memory_space<vmem>>)
    %add3A_23 = arith.constant 128 : i32
    %add3A_24 = arith.addi %mul3A_2, %add3A_23 : i32
    "tpu.region"() ({
      %run_scoped3A = tpu.sem_alloc : memref<!tpu.dma_semaphore, #tpu.memory_space<semaphore_mem>>
      %dma_start3A_61 = arith.constant 0 : i32
      %dma_start3A_62 = tpu.memref_slice %arg4[%add3A_24, %dma_start3A_61] : memref<16384x256xf32, #tpu.memory_space<hbm>> -> memref<128x256xf32, #tpu.memory_space<hbm>>
      %dma_start3A_63 = arith.constant 0 : i32
      %dma_start3A_64 = tpu.memref_slice %arg4[%add3A_24, %dma_start3A_63] : memref<16384x256xf32, #tpu.memory_space<hbm>> -> memref<128x256xf32, #tpu.memory_space<hbm>>
      tpu.enqueue_dma source(%arg7 : memref<128x256xf32, #tpu.memory_space<vmem>>) target(%dma_start3A_64 : memref<128x256xf32, #tpu.memory_space<hbm>>) target_semaphore(%run_scoped3A : memref<!tpu.dma_semaphore, #tpu.memory_space<semaphore_mem>>)
      %dma_wait3A_65 = arith.constant 0 : i32
      %dma_wait3A_66 = tpu.memref_slice %arg4[%add3A_24, %dma_wait3A_65] : memref<16384x256xf32, #tpu.memory_space<hbm>> -> memref<128x256xf32, #tpu.memory_space<hbm>>
      %dma_wait3A_67 = arith.constant 0 : i32
      %dma_wait3A_68 = tpu.memref_slice %arg4[%add3A_24, %dma_wait3A_67] : memref<16384x256xf32, #tpu.memory_space<hbm>> -> memref<128x256xf32, #tpu.memory_space<hbm>>
      tpu.wait_dma2 semaphore(%run_scoped3A : memref<!tpu.dma_semaphore, #tpu.memory_space<semaphore_mem>>) src(%arg7 : memref<128x256xf32, #tpu.memory_space<vmem>>) dst(%dma_wait3A_68 : memref<128x256xf32, #tpu.memory_space<hbm>>)
      tpu.yield
    }) : () -> ()
    %dma_start3A_25 = arith.constant 256 : i32
    %dma_start3A_26 = tpu.memref_slice %arg6[%dma_start3A_25] : memref<512xi32, #tpu.memory_space<vmem>> -> memref<128xi32, #tpu.memory_space<vmem>>
    %dma_start3A_27 = arith.constant 0 : i32
    %dma_start3A_28 = arith.constant 0 : i32
    %dma_start3A_29 = tpu.memref_slice %arg2[%dma_start3A_27, %dma_start3A_28] : memref<8192x256xf32, #tpu.memory_space<hbm>> -> memref<8192x256xf32, #tpu.memory_space<hbm>>
    tpu.enqueue_indirect_dma source(%dma_start3A_29 : memref<8192x256xf32, #tpu.memory_space<hbm>>) target(%arg7 : memref<128x256xf32, #tpu.memory_space<vmem>>) offsets(%dma_start3A_26 : memref<128xi32, #tpu.memory_space<vmem>>) semaphore(%arg9 : memref<!tpu.dma_semaphore, #tpu.memory_space<semaphore_mem>>)
    %dma_wait3A_30 = arith.constant 256 : i32
    %dma_wait3A_31 = tpu.memref_slice %arg6[%dma_wait3A_30] : memref<512xi32, #tpu.memory_space<vmem>> -> memref<128xi32, #tpu.memory_space<vmem>>
    %dma_wait3A_32 = arith.constant 0 : i32
    %dma_wait3A_33 = arith.constant 0 : i32
    %dma_wait3A_34 = tpu.memref_slice %arg2[%dma_wait3A_32, %dma_wait3A_33] : memref<8192x256xf32, #tpu.memory_space<hbm>> -> memref<8192x256xf32, #tpu.memory_space<hbm>>
    tpu.wait_indirect_dma semaphore(%arg9 : memref<!tpu.dma_semaphore, #tpu.memory_space<semaphore_mem>>) src(%dma_wait3A_34 : memref<8192x256xf32, #tpu.memory_space<hbm>>) dst(%arg7 : memref<128x256xf32, #tpu.memory_space<vmem>>)
    %add3A_35 = arith.constant 256 : i32
    %add3A_36 = arith.addi %mul3A_2, %add3A_35 : i32
    "tpu.region"() ({
      %run_scoped3A = tpu.sem_alloc : memref<!tpu.dma_semaphore, #tpu.memory_space<semaphore_mem>>
      %dma_start3A_61 = arith.constant 0 : i32
      %dma_start3A_62 = tpu.memref_slice %arg4[%add3A_36, %dma_start3A_61] : memref<16384x256xf32, #tpu.memory_space<hbm>> -> memref<128x256xf32, #tpu.memory_space<hbm>>
      %dma_start3A_63 = arith.constant 0 : i32
      %dma_start3A_64 = tpu.memref_slice %arg4[%add3A_36, %dma_start3A_63] : memref<16384x256xf32, #tpu.memory_space<hbm>> -> memref<128x256xf32, #tpu.memory_space<hbm>>
      tpu.enqueue_dma source(%arg7 : memref<128x256xf32, #tpu.memory_space<vmem>>) target(%dma_start3A_64 : memref<128x256xf32, #tpu.memory_space<hbm>>) target_semaphore(%run_scoped3A : memref<!tpu.dma_semaphore, #tpu.memory_space<semaphore_mem>>)
      %dma_wait3A_65 = arith.constant 0 : i32
      %dma_wait3A_66 = tpu.memref_slice %arg4[%add3A_36, %dma_wait3A_65] : memref<16384x256xf32, #tpu.memory_space<hbm>> -> memref<128x256xf32, #tpu.memory_space<hbm>>
      %dma_wait3A_67 = arith.constant 0 : i32
      %dma_wait3A_68 = tpu.memref_slice %arg4[%add3A_36, %dma_wait3A_67] : memref<16384x256xf32, #tpu.memory_space<hbm>> -> memref<128x256xf32, #tpu.memory_space<hbm>>
      tpu.wait_dma2 semaphore(%run_scoped3A : memref<!tpu.dma_semaphore, #tpu.memory_space<semaphore_mem>>) src(%arg7 : memref<128x256xf32, #tpu.memory_space<vmem>>) dst(%dma_wait3A_68 : memref<128x256xf32, #tpu.memory_space<hbm>>)
      tpu.yield
    }) : () -> ()
    %dma_start3A_37 = arith.constant 384 : i32
    %dma_start3A_38 = tpu.memref_slice %arg6[%dma_start3A_37] : memref<512xi32, #tpu.memory_space<vmem>> -> memref<128xi32, #tpu.memory_space<vmem>>
    %dma_start3A_39 = arith.constant 0 : i32
    %dma_start3A_40 = arith.constant 0 : i32
    %dma_start3A_41 = tpu.memref_slice %arg2[%dma_start3A_39, %dma_start3A_40] : memref<8192x256xf32, #tpu.memory_space<hbm>> -> memref<8192x256xf32, #tpu.memory_space<hbm>>
    tpu.enqueue_indirect_dma source(%dma_start3A_41 : memref<8192x256xf32, #tpu.memory_space<hbm>>) target(%arg7 : memref<128x256xf32, #tpu.memory_space<vmem>>) offsets(%dma_start3A_38 : memref<128xi32, #tpu.memory_space<vmem>>) semaphore(%arg9 : memref<!tpu.dma_semaphore, #tpu.memory_space<semaphore_mem>>)
    %dma_wait3A_42 = arith.constant 384 : i32
    %dma_wait3A_43 = tpu.memref_slice %arg6[%dma_wait3A_42] : memref<512xi32, #tpu.memory_space<vmem>> -> memref<128xi32, #tpu.memory_space<vmem>>
    %dma_wait3A_44 = arith.constant 0 : i32
    %dma_wait3A_45 = arith.constant 0 : i32
    %dma_wait3A_46 = tpu.memref_slice %arg2[%dma_wait3A_44, %dma_wait3A_45] : memref<8192x256xf32, #tpu.memory_space<hbm>> -> memref<8192x256xf32, #tpu.memory_space<hbm>>
    tpu.wait_indirect_dma semaphore(%arg9 : memref<!tpu.dma_semaphore, #tpu.memory_space<semaphore_mem>>) src(%dma_wait3A_46 : memref<8192x256xf32, #tpu.memory_space<hbm>>) dst(%arg7 : memref<128x256xf32, #tpu.memory_space<vmem>>)
    %add3A_47 = arith.constant 384 : i32
    %add3A_48 = arith.addi %mul3A_2, %add3A_47 : i32
    "tpu.region"() ({
      %run_scoped3A = tpu.sem_alloc : memref<!tpu.dma_semaphore, #tpu.memory_space<semaphore_mem>>
      %dma_start3A_61 = arith.constant 0 : i32
      %dma_start3A_62 = tpu.memref_slice %arg4[%add3A_48, %dma_start3A_61] : memref<16384x256xf32, #tpu.memory_space<hbm>> -> memref<128x256xf32, #tpu.memory_space<hbm>>
      %dma_start3A_63 = arith.constant 0 : i32
      %dma_start3A_64 = tpu.memref_slice %arg4[%add3A_48, %dma_start3A_63] : memref<16384x256xf32, #tpu.memory_space<hbm>> -> memref<128x256xf32, #tpu.memory_space<hbm>>
      tpu.enqueue_dma source(%arg7 : memref<128x256xf32, #tpu.memory_space<vmem>>) target(%dma_start3A_64 : memref<128x256xf32, #tpu.memory_space<hbm>>) target_semaphore(%run_scoped3A : memref<!tpu.dma_semaphore, #tpu.memory_space<semaphore_mem>>)
      %dma_wait3A_65 = arith.constant 0 : i32
      %dma_wait3A_66 = tpu.memref_slice %arg4[%add3A_48, %dma_wait3A_65] : memref<16384x256xf32, #tpu.memory_space<hbm>> -> memref<128x256xf32, #tpu.memory_space<hbm>>
      %dma_wait3A_67 = arith.constant 0 : i32
      %dma_wait3A_68 = tpu.memref_slice %arg4[%add3A_48, %dma_wait3A_67] : memref<16384x256xf32, #tpu.memory_space<hbm>> -> memref<128x256xf32, #tpu.memory_space<hbm>>
      tpu.wait_dma2 semaphore(%run_scoped3A : memref<!tpu.dma_semaphore, #tpu.memory_space<semaphore_mem>>) src(%arg7 : memref<128x256xf32, #tpu.memory_space<vmem>>) dst(%dma_wait3A_68 : memref<128x256xf32, #tpu.memory_space<hbm>>)
      tpu.yield
    }) : () -> ()
    %scan3A = arith.constant 0 : i32
    %scan3A_49 = arith.constant 0 : i32
    %scan3A_50 = arith.constant 512 : i32
    %scan3A_51 = arith.addi %scan3A_49, %scan3A_50 : i32
    %scan3A_52 = arith.constant 1 : i32
    scf.for %scan3A_61 = %scan3A_49 to %scan3A_51 step %scan3A_52  : i32 {
      %broadcast_in_dim3A_62 = arith.constant 0.000000e+00 : f32
      %broadcast_in_dim3A_63 = vector.broadcast %broadcast_in_dim3A_62 : f32 to vector<16xf32>
      %mul3A_64 = arith.constant 16 : i32
      %mul3A_65 = arith.muli %scan3A_61, %mul3A_64 : i32
      %swap3A = arith.index_cast %mul3A_65 : i32 to index
      %swap3A_66 = tpu.vector_load %arg8[%swap3A] {strides = array<i32>} : memref<8192xf32, #tpu.memory_space<vmem>>, vector<16xf32>,
      tpu.vector_store %arg8[%swap3A], %broadcast_in_dim3A_63 {strides = array<i32>} : memref<8192xf32, #tpu.memory_space<vmem>>, vector<16xf32>,
    }
    %scan3A_53 = arith.constant 512 : i32
    %broadcast_in_dim3A = arith.constant 1.000000e+00 : f32
    %broadcast_in_dim3A_54 = vector.broadcast %broadcast_in_dim3A : f32 to vector<16xf32>
    %scan3A_55 = arith.constant 0 : i32
    %scan3A_56 = arith.constant 0 : i32
    %scan3A_57 = arith.constant 32 : i32
    %scan3A_58 = arith.addi %scan3A_56, %scan3A_57 : i32
    %scan3A_59 = arith.constant 1 : i32
    scf.for %scan3A_61 = %scan3A_56 to %scan3A_58 step %scan3A_59  : i32 {
      %mul3A_62 = arith.constant 16 : i32
      %mul3A_63 = arith.muli %scan3A_61, %mul3A_62 : i32
      %get3A = arith.index_cast %mul3A_63 : i32 to index
      %get3A_64 = tpu.vector_load %arg6[%get3A] {strides = array<i32>} : memref<512xi32, #tpu.memory_space<vmem>>, vector<16xi32>,
      tpu.vector_store_idx %arg8[%get3A_64], %broadcast_in_dim3A_54 {add = true} : memref<8192xf32, #tpu.memory_space<vmem>>[vector<16xi32>], vector<16xf32>,
    }
    %scan3A_60 = arith.constant 32 : i32
    "tpu.region"() ({
      %run_scoped3A = tpu.sem_alloc : memref<!tpu.dma_semaphore, #tpu.memory_space<semaphore_mem>>
      %dma_start3A_61 = arith.constant 0 : i32
      %dma_start3A_62 = tpu.memref_slice %arg5[%add3A, %dma_start3A_61] : memref<32x8192xf32, #tpu.memory_space<hbm>> -> memref<1x8192xf32, #tpu.memory_space<hbm>>
      %dma_start3A_63 = tpu.memref_squeeze %dma_start3A_62 : memref<1x8192xf32, #tpu.memory_space<hbm>> -> memref<8192xf32, #tpu.memory_space<hbm>>
      %dma_start3A_64 = arith.constant 0 : i32
      %dma_start3A_65 = tpu.memref_slice %arg5[%add3A, %dma_start3A_64] : memref<32x8192xf32, #tpu.memory_space<hbm>> -> memref<1x8192xf32, #tpu.memory_space<hbm>>
      %dma_start3A_66 = tpu.memref_squeeze %dma_start3A_65 : memref<1x8192xf32, #tpu.memory_space<hbm>> -> memref<8192xf32, #tpu.memory_space<hbm>>
      tpu.enqueue_dma source(%arg8 : memref<8192xf32, #tpu.memory_space<vmem>>) target(%dma_start3A_66 : memref<8192xf32, #tpu.memory_space<hbm>>) target_semaphore(%run_scoped3A : memref<!tpu.dma_semaphore, #tpu.memory_space<semaphore_mem>>)
      %dma_wait3A_67 = arith.constant 0 : i32
      %dma_wait3A_68 = tpu.memref_slice %arg5[%add3A, %dma_wait3A_67] : memref<32x8192xf32, #tpu.memory_space<hbm>> -> memref<1x8192xf32, #tpu.memory_space<hbm>>
      %dma_wait3A_69 = tpu.memref_squeeze %dma_wait3A_68 : memref<1x8192xf32, #tpu.memory_space<hbm>> -> memref<8192xf32, #tpu.memory_space<hbm>>
      %dma_wait3A_70 = arith.constant 0 : i32
      %dma_wait3A_71 = tpu.memref_slice %arg5[%add3A, %dma_wait3A_70] : memref<32x8192xf32, #tpu.memory_space<hbm>> -> memref<1x8192xf32, #tpu.memory_space<hbm>>
      %dma_wait3A_72 = tpu.memref_squeeze %dma_wait3A_71 : memref<1x8192xf32, #tpu.memory_space<hbm>> -> memref<8192xf32, #tpu.memory_space<hbm>>
      tpu.wait_dma2 semaphore(%run_scoped3A : memref<!tpu.dma_semaphore, #tpu.memory_space<semaphore_mem>>) src(%arg8 : memref<8192xf32, #tpu.memory_space<vmem>>) dst(%dma_wait3A_72 : memref<8192xf32, #tpu.memory_space<hbm>>)
      tpu.yield
    }) : () -> ()
    return
  }
}

module attributes {stable_mosaic.version = 14 : i64} {
  func.func @_argmin_body(%arg0: i32, %arg1: memref<512x256xf32, #tpu.memory_space<vmem>>, %arg2: memref<2736x256xf32, #tpu.memory_space<vmem>>, %arg3: memref<2736x256xf32, #tpu.memory_space<vmem>>, %arg4: memref<2720x256xf32, #tpu.memory_space<vmem>>, %arg5: memref<512x1xf32, #tpu.memory_space<vmem>>, %arg6: memref<1x2736xf32, #tpu.memory_space<vmem>>, %arg7: memref<1x2736xf32, #tpu.memory_space<vmem>>, %arg8: memref<1x2720xf32, #tpu.memory_space<vmem>>, %arg9: memref<512x1xi32, #tpu.memory_space<vmem>>, %arg10: memref<1x1xf32, #tpu.memory_space<vmem>>) attributes {dimension_semantics = [#tpu.dimension_semantics<arbitrary>], iteration_bounds = array<i64: 32>, scalar_prefetch = 0 : i64, scratch_operands = 0 : i64, tpu.core_type = #tpu.core_type<tc>, window_params = [{transform_indices = @transform_0, window_bounds = array<i64: 512, 256>}, {pipeline_mode = #tpu.pipeline_mode<synchronous>, transform_indices = @transform_1, window_bounds = array<i64: 2736, 256>}, {pipeline_mode = #tpu.pipeline_mode<synchronous>, transform_indices = @transform_2, window_bounds = array<i64: 2736, 256>}, {pipeline_mode = #tpu.pipeline_mode<synchronous>, transform_indices = @transform_3, window_bounds = array<i64: 2720, 256>}, {transform_indices = @transform_4, window_bounds = array<i64: 512, 1>}, {pipeline_mode = #tpu.pipeline_mode<synchronous>, transform_indices = @transform_5, window_bounds = array<i64: 1, 2736>}, {pipeline_mode = #tpu.pipeline_mode<synchronous>, transform_indices = @transform_6, window_bounds = array<i64: 1, 2736>}, {pipeline_mode = #tpu.pipeline_mode<synchronous>, transform_indices = @transform_7, window_bounds = array<i64: 1, 2720>}, {transform_indices = @transform_8, window_bounds = array<i64: 512, 1>}, {pipeline_mode = #tpu.pipeline_mode<synchronous>, transform_indices = @transform_9, window_bounds = array<i64: 1, 1>}]} {
    %get3A = arith.constant 0 : index
    %get3A_0 = arith.constant 0 : index
    %get3A_1 = vector.load %arg1[%get3A, %get3A_0] : memref<512x256xf32, #tpu.memory_space<vmem>>, vector<512x256xf32>
    %get3A_2 = arith.constant 0 : index
    %get3A_3 = arith.constant 0 : index
    %get3A_4 = vector.load %arg5[%get3A_2, %get3A_3] : memref<512x1xf32, #tpu.memory_space<vmem>>, vector<512x1xf32>
    %get3A_5 = arith.constant 0 : index
    %get3A_6 = arith.constant 0 : index
    %get3A_7 = vector.load %arg2[%get3A_5, %get3A_6] : memref<2736x256xf32, #tpu.memory_space<vmem>>, vector<2736x256xf32>
    %dot_general3A = arith.constant dense<0.000000e+00> : vector<512x2736xf32>
    %dot_general3A_8 = tpu.matmul %get3A_1, %get3A_7, %dot_general3A {dimension_numbers = #tpu.dot_dimension_numbers<[1], [1], [0], [0], [0, 0, 1, 0], [], []>, transpose_lhs_hint = false} : vector<512x256xf32>, vector<2736x256xf32>, vector<512x2736xf32> -> vector<512x2736xf32>
    %get3A_9 = arith.constant 0 : index
    %get3A_10 = arith.constant 0 : index
    %get3A_11 = vector.load %arg6[%get3A_9, %get3A_10] : memref<1x2736xf32, #tpu.memory_space<vmem>>, vector<1x2736xf32>
    %add3A = vector.broadcast %get3A_4 : vector<512x1xf32> to vector<512x2736xf32>
    %add3A_12 = vector.broadcast %get3A_11 : vector<1x2736xf32> to vector<512x2736xf32>
    %add3A_13 = arith.addf %add3A, %add3A_12 : vector<512x2736xf32>
    %mul3A = arith.constant 2.000000e+00 : f32
    %mul3A_14 = vector.broadcast %mul3A : f32 to vector<512x2736xf32>
    %mul3A_15 = arith.mulf %mul3A_14, %dot_general3A_8 : vector<512x2736xf32>
    %sub3A = arith.subf %add3A_13, %mul3A_15 : vector<512x2736xf32>
    %iota3A = tpu.iota {dimensions = array<i32: 1>} : vector<512x2736xi32>
    %add3A_16 = arith.constant 0 : i32
    %add3A_17 = vector.broadcast %add3A_16 : i32 to vector<512x2736xi32>
    %add3A_18 = arith.addi %iota3A, %add3A_17 : vector<512x2736xi32>
    %reduce_min3A = arith.constant dense<0x7F800000> : vector<512xf32>
    %reduce_min3A_19 = vector.multi_reduction <minimumf>, %sub3A, %reduce_min3A [1] : vector<512x2736xf32> to vector<512xf32>
    %broadcast_in_dim3A = vector.shape_cast %reduce_min3A_19 : vector<512xf32> to vector<512x1xf32>
    %eq3A = vector.broadcast %broadcast_in_dim3A : vector<512x1xf32> to vector<512x2736xf32>
    %eq3A_20 = arith.cmpf oeq, %sub3A, %eq3A : vector<512x2736xf32>
    %jit3A = arith.constant 8192 : i32
    %broadcast_in_dim3A_21 = vector.broadcast %jit3A : i32 to vector<512x2736xi32>
    %select_n3A = arith.select %eq3A_20, %add3A_18, %broadcast_in_dim3A_21 : vector<512x2736xi1>, vector<512x2736xi32>
    %reduce_min3A_22 = arith.constant dense<2147483647> : vector<512xi32>
    %reduce_min3A_23 = vector.multi_reduction <minsi>, %select_n3A, %reduce_min3A_22 [1] : vector<512x2736xi32> to vector<512xi32>
    %broadcast_in_dim3A_24 = vector.shape_cast %reduce_min3A_23 : vector<512xi32> to vector<512x1xi32>
    %get3A_25 = arith.constant 0 : index
    %get3A_26 = arith.constant 0 : index
    %get3A_27 = vector.load %arg3[%get3A_25, %get3A_26] : memref<2736x256xf32, #tpu.memory_space<vmem>>, vector<2736x256xf32>
    %dot_general3A_28 = arith.constant dense<0.000000e+00> : vector<512x2736xf32>
    %dot_general3A_29 = tpu.matmul %get3A_1, %get3A_27, %dot_general3A_28 {dimension_numbers = #tpu.dot_dimension_numbers<[1], [1], [0], [0], [0, 0, 1, 0], [], []>, transpose_lhs_hint = false} : vector<512x256xf32>, vector<2736x256xf32>, vector<512x2736xf32> -> vector<512x2736xf32>
    %get3A_30 = arith.constant 0 : index
    %get3A_31 = arith.constant 0 : index
    %get3A_32 = vector.load %arg7[%get3A_30, %get3A_31] : memref<1x2736xf32, #tpu.memory_space<vmem>>, vector<1x2736xf32>
    %add3A_33 = vector.broadcast %get3A_4 : vector<512x1xf32> to vector<512x2736xf32>
    %add3A_34 = vector.broadcast %get3A_32 : vector<1x2736xf32> to vector<512x2736xf32>
    %add3A_35 = arith.addf %add3A_33, %add3A_34 : vector<512x2736xf32>
    %mul3A_36 = arith.constant 2.000000e+00 : f32
    %mul3A_37 = vector.broadcast %mul3A_36 : f32 to vector<512x2736xf32>
    %mul3A_38 = arith.mulf %mul3A_37, %dot_general3A_29 : vector<512x2736xf32>
    %sub3A_39 = arith.subf %add3A_35, %mul3A_38 : vector<512x2736xf32>
    %iota3A_40 = tpu.iota {dimensions = array<i32: 1>} : vector<512x2736xi32>
    %add3A_41 = arith.constant 2736 : i32
    %add3A_42 = vector.broadcast %add3A_41 : i32 to vector<512x2736xi32>
    %add3A_43 = arith.addi %iota3A_40, %add3A_42 : vector<512x2736xi32>
    %reduce_min3A_44 = arith.constant dense<0x7F800000> : vector<512xf32>
    %reduce_min3A_45 = vector.multi_reduction <minimumf>, %sub3A_39, %reduce_min3A_44 [1] : vector<512x2736xf32> to vector<512xf32>
    %broadcast_in_dim3A_46 = vector.shape_cast %reduce_min3A_45 : vector<512xf32> to vector<512x1xf32>
    %eq3A_47 = vector.broadcast %broadcast_in_dim3A_46 : vector<512x1xf32> to vector<512x2736xf32>
    %eq3A_48 = arith.cmpf oeq, %sub3A_39, %eq3A_47 : vector<512x2736xf32>
    %jit3A_49 = arith.constant 8192 : i32
    %broadcast_in_dim3A_50 = vector.broadcast %jit3A_49 : i32 to vector<512x2736xi32>
    %select_n3A_51 = arith.select %eq3A_48, %add3A_43, %broadcast_in_dim3A_50 : vector<512x2736xi1>, vector<512x2736xi32>
    %reduce_min3A_52 = arith.constant dense<2147483647> : vector<512xi32>
    %reduce_min3A_53 = vector.multi_reduction <minsi>, %select_n3A_51, %reduce_min3A_52 [1] : vector<512x2736xi32> to vector<512xi32>
    %broadcast_in_dim3A_54 = vector.shape_cast %reduce_min3A_53 : vector<512xi32> to vector<512x1xi32>
    %get3A_55 = arith.constant 0 : index
    %get3A_56 = arith.constant 0 : index
    %get3A_57 = vector.load %arg4[%get3A_55, %get3A_56] : memref<2720x256xf32, #tpu.memory_space<vmem>>, vector<2720x256xf32>
    %dot_general3A_58 = arith.constant dense<0.000000e+00> : vector<512x2720xf32>
    %dot_general3A_59 = tpu.matmul %get3A_1, %get3A_57, %dot_general3A_58 {dimension_numbers = #tpu.dot_dimension_numbers<[1], [1], [0], [0], [0, 0, 1, 0], [], []>, transpose_lhs_hint = false} : vector<512x256xf32>, vector<2720x256xf32>, vector<512x2720xf32> -> vector<512x2720xf32>
    %get3A_60 = arith.constant 0 : index
    %get3A_61 = arith.constant 0 : index
    %get3A_62 = vector.load %arg8[%get3A_60, %get3A_61] : memref<1x2720xf32, #tpu.memory_space<vmem>>, vector<1x2720xf32>
    %add3A_63 = vector.broadcast %get3A_4 : vector<512x1xf32> to vector<512x2720xf32>
    %add3A_64 = vector.broadcast %get3A_62 : vector<1x2720xf32> to vector<512x2720xf32>
    %add3A_65 = arith.addf %add3A_63, %add3A_64 : vector<512x2720xf32>
    %mul3A_66 = arith.constant 2.000000e+00 : f32
    %mul3A_67 = vector.broadcast %mul3A_66 : f32 to vector<512x2720xf32>
    %mul3A_68 = arith.mulf %mul3A_67, %dot_general3A_59 : vector<512x2720xf32>
    %sub3A_69 = arith.subf %add3A_65, %mul3A_68 : vector<512x2720xf32>
    %iota3A_70 = tpu.iota {dimensions = array<i32: 1>} : vector<512x2720xi32>
    %add3A_71 = arith.constant 5472 : i32
    %add3A_72 = vector.broadcast %add3A_71 : i32 to vector<512x2720xi32>
    %add3A_73 = arith.addi %iota3A_70, %add3A_72 : vector<512x2720xi32>
    %reduce_min3A_74 = arith.constant dense<0x7F800000> : vector<512xf32>
    %reduce_min3A_75 = vector.multi_reduction <minimumf>, %sub3A_69, %reduce_min3A_74 [1] : vector<512x2720xf32> to vector<512xf32>
    %broadcast_in_dim3A_76 = vector.shape_cast %reduce_min3A_75 : vector<512xf32> to vector<512x1xf32>
    %eq3A_77 = vector.broadcast %broadcast_in_dim3A_76 : vector<512x1xf32> to vector<512x2720xf32>
    %eq3A_78 = arith.cmpf oeq, %sub3A_69, %eq3A_77 : vector<512x2720xf32>
    %jit3A_79 = arith.constant 8192 : i32
    %broadcast_in_dim3A_80 = vector.broadcast %jit3A_79 : i32 to vector<512x2720xi32>
    %select_n3A_81 = arith.select %eq3A_78, %add3A_73, %broadcast_in_dim3A_80 : vector<512x2720xi1>, vector<512x2720xi32>
    %reduce_min3A_82 = arith.constant dense<2147483647> : vector<512xi32>
    %reduce_min3A_83 = vector.multi_reduction <minsi>, %select_n3A_81, %reduce_min3A_82 [1] : vector<512x2720xi32> to vector<512xi32>
    %broadcast_in_dim3A_84 = vector.shape_cast %reduce_min3A_83 : vector<512xi32> to vector<512x1xi32>
    %bitcast_convert_type3A = tpu.bitcast %broadcast_in_dim3A : vector<512x1xf32> -> vector<512x1xi32>
    %add3A_85 = arith.constant 32767 : i32
    %add3A_86 = vector.broadcast %add3A_85 : i32 to vector<512x1xi32>
    %add3A_87 = arith.addi %bitcast_convert_type3A, %add3A_86 : vector<512x1xi32>
    %shift_right_logical3A = arith.constant 16 : i32
    %shift_right_logical3A_88 = vector.broadcast %shift_right_logical3A : i32 to vector<512x1xi32>
    %shift_right_logical3A_89 = arith.shrui %bitcast_convert_type3A, %shift_right_logical3A_88 : vector<512x1xi32>
    %and3A = arith.constant 1 : i32
    %and3A_90 = vector.broadcast %and3A : i32 to vector<512x1xi32>
    %and3A_91 = arith.andi %shift_right_logical3A_89, %and3A_90 : vector<512x1xi32>
    %add3A_92 = arith.addi %add3A_87, %and3A_91 : vector<512x1xi32>
    %and3A_93 = arith.constant -65536 : i32
    %and3A_94 = vector.broadcast %and3A_93 : i32 to vector<512x1xi32>
    %and3A_95 = arith.andi %add3A_92, %and3A_94 : vector<512x1xi32>
    %bitcast_convert_type3A_96 = tpu.bitcast %and3A_95 : vector<512x1xi32> -> vector<512x1xf32>
    %lt3A = arith.cmpf olt, %broadcast_in_dim3A_46, %bitcast_convert_type3A_96 : vector<512x1xf32>
    %select_n3A_97 = arith.select %lt3A, %broadcast_in_dim3A_54, %broadcast_in_dim3A_24 : vector<512x1xi1>, vector<512x1xi32>
    %select_n3A_98 = arith.select %lt3A, %broadcast_in_dim3A_46, %broadcast_in_dim3A : vector<512x1xi1>, vector<512x1xf32>
    %bitcast_convert_type3A_99 = tpu.bitcast %broadcast_in_dim3A_46 : vector<512x1xf32> -> vector<512x1xi32>
    %add3A_100 = arith.constant 32767 : i32
    %add3A_101 = vector.broadcast %add3A_100 : i32 to vector<512x1xi32>
    %add3A_102 = arith.addi %bitcast_convert_type3A_99, %add3A_101 : vector<512x1xi32>
    %shift_right_logical3A_103 = arith.constant 16 : i32
    %shift_right_logical3A_104 = vector.broadcast %shift_right_logical3A_103 : i32 to vector<512x1xi32>
    %shift_right_logical3A_105 = arith.shrui %bitcast_convert_type3A_99, %shift_right_logical3A_104 : vector<512x1xi32>
    %and3A_106 = arith.constant 1 : i32
    %and3A_107 = vector.broadcast %and3A_106 : i32 to vector<512x1xi32>
    %and3A_108 = arith.andi %shift_right_logical3A_105, %and3A_107 : vector<512x1xi32>
    %add3A_109 = arith.addi %add3A_102, %and3A_108 : vector<512x1xi32>
    %and3A_110 = arith.constant -65536 : i32
    %and3A_111 = vector.broadcast %and3A_110 : i32 to vector<512x1xi32>
    %and3A_112 = arith.andi %add3A_109, %and3A_111 : vector<512x1xi32>
    %bitcast_convert_type3A_113 = tpu.bitcast %and3A_112 : vector<512x1xi32> -> vector<512x1xf32>
    %select_n3A_114 = arith.select %lt3A, %bitcast_convert_type3A_113, %bitcast_convert_type3A_96 : vector<512x1xi1>, vector<512x1xf32>
    %lt3A_115 = arith.cmpf olt, %broadcast_in_dim3A_76, %select_n3A_114 : vector<512x1xf32>
    %select_n3A_116 = arith.select %lt3A_115, %broadcast_in_dim3A_84, %select_n3A_97 : vector<512x1xi1>, vector<512x1xi32>
    %select_n3A_117 = arith.select %lt3A_115, %broadcast_in_dim3A_76, %select_n3A_98 : vector<512x1xi1>, vector<512x1xf32>
    %swap3A = arith.constant 0 : index
    %swap3A_118 = arith.constant 0 : index
    %swap3A_119 = vector.load %arg9[%swap3A, %swap3A_118] : memref<512x1xi32, #tpu.memory_space<vmem>>, vector<512x1xi32>
    tpu.vector_store %arg9[%swap3A, %swap3A_118], %select_n3A_116 {strides = array<i32>} : memref<512x1xi32, #tpu.memory_space<vmem>>, vector<512x1xi32>,
    %eq3A_120 = arith.constant 0 : i32
    %eq3A_121 = arith.cmpi eq, %arg0, %eq3A_120 : i32
    %convert_element_type3A = arith.extui %eq3A_121 : i1 to i32
    %cond3A = arith.constant 0 : i32
    %cond3A_122 = arith.cmpi ne, %convert_element_type3A, %cond3A : i32
    scf.if %cond3A_122 {
      %broadcast_in_dim3A_132 = arith.constant 0.000000e+00 : f32
      %broadcast_in_dim3A_133 = vector.broadcast %broadcast_in_dim3A_132 : f32 to vector<1x1xf32>
      %swap3A_134 = arith.constant 0 : index
      %swap3A_135 = arith.constant 0 : index
      %swap3A_136 = vector.load %arg10[%swap3A_134, %swap3A_135] : memref<1x1xf32, #tpu.memory_space<vmem>>, vector<1x1xf32>
      tpu.vector_store %arg10[%swap3A_134, %swap3A_135], %broadcast_in_dim3A_133 {strides = array<i32>} : memref<1x1xf32, #tpu.memory_space<vmem>>, vector<1x1xf32>,
    } else {
    }
    %get3A_123 = arith.constant 0 : index
    %get3A_124 = arith.constant 0 : index
    %get3A_125 = vector.load %arg10[%get3A_123, %get3A_124] : memref<1x1xf32, #tpu.memory_space<vmem>>, vector<1x1xf32>
    %reduce_sum3A = arith.constant dense<0.000000e+00> : vector<1xf32>
    %reduce_sum3A_126 = vector.multi_reduction <add>, %select_n3A_117, %reduce_sum3A [0] : vector<512x1xf32> to vector<1xf32>
    %broadcast_in_dim3A_127 = vector.shape_cast %reduce_sum3A_126 : vector<1xf32> to vector<1x1xf32>
    %add3A_128 = arith.addf %get3A_125, %broadcast_in_dim3A_127 : vector<1x1xf32>
    %swap3A_129 = arith.constant 0 : index
    %swap3A_130 = arith.constant 0 : index
    %swap3A_131 = vector.load %arg10[%swap3A_129, %swap3A_130] : memref<1x1xf32, #tpu.memory_space<vmem>>, vector<1x1xf32>
    tpu.vector_store %arg10[%swap3A_129, %swap3A_130], %add3A_128 {strides = array<i32>} : memref<1x1xf32, #tpu.memory_space<vmem>>, vector<1x1xf32>,
    return
  }
  func.func @transform_0(%arg0: i32) -> (i32, i32) {
    %c0_i32 = arith.constant 0 : i32
    %c0_i32_0 = arith.constant 0 : i32
    return %arg0, %c0_i32 : i32, i32
  }
  func.func @transform_1(%arg0: i32) -> (i32, i32) {
    %c0_i32 = arith.constant 0 : i32
    %c0_i32_0 = arith.constant 0 : i32
    %c0_i32_1 = arith.constant 0 : i32
    return %c0_i32, %c0_i32_0 : i32, i32
  }
  func.func @transform_2(%arg0: i32) -> (i32, i32) {
    %c0_i32 = arith.constant 0 : i32
    %c0_i32_0 = arith.constant 0 : i32
    %c0_i32_1 = arith.constant 0 : i32
    return %c0_i32, %c0_i32_0 : i32, i32
  }
  func.func @transform_3(%arg0: i32) -> (i32, i32) {
    %c0_i32 = arith.constant 0 : i32
    %c0_i32_0 = arith.constant 0 : i32
    %c0_i32_1 = arith.constant 0 : i32
    return %c0_i32, %c0_i32_0 : i32, i32
  }
  func.func @transform_4(%arg0: i32) -> (i32, i32) {
    %c0_i32 = arith.constant 0 : i32
    %c0_i32_0 = arith.constant 0 : i32
    return %arg0, %c0_i32 : i32, i32
  }
  func.func @transform_5(%arg0: i32) -> (i32, i32) {
    %c0_i32 = arith.constant 0 : i32
    %c0_i32_0 = arith.constant 0 : i32
    %c0_i32_1 = arith.constant 0 : i32
    return %c0_i32, %c0_i32_0 : i32, i32
  }
  func.func @transform_6(%arg0: i32) -> (i32, i32) {
    %c0_i32 = arith.constant 0 : i32
    %c0_i32_0 = arith.constant 0 : i32
    %c0_i32_1 = arith.constant 0 : i32
    return %c0_i32, %c0_i32_0 : i32, i32
  }
  func.func @transform_7(%arg0: i32) -> (i32, i32) {
    %c0_i32 = arith.constant 0 : i32
    %c0_i32_0 = arith.constant 0 : i32
    %c0_i32_1 = arith.constant 0 : i32
    return %c0_i32, %c0_i32_0 : i32, i32
  }
  func.func @transform_8(%arg0: i32) -> (i32, i32) {
    %c0_i32 = arith.constant 0 : i32
    %c0_i32_0 = arith.constant 0 : i32
    return %arg0, %c0_i32 : i32, i32
  }
  func.func @transform_9(%arg0: i32) -> (i32, i32) {
    %c0_i32 = arith.constant 0 : i32
    %c0_i32_0 = arith.constant 0 : i32
    %c0_i32_1 = arith.constant 0 : i32
    return %c0_i32, %c0_i32_0 : i32, i32
  }
}

module attributes {stable_mosaic.version = 14 : i64} {
  func.func @_scalar_body(%arg0: memref<32x8192xf32, #tpu.memory_space<vmem>>, %arg1: memref<1x1xf32, #tpu.memory_space<vmem>>, %arg2: memref<1x1xf32, #tpu.memory_space<vmem>>, %arg3: memref<1x1xf32, #tpu.memory_space<vmem>>) attributes {dimension_semantics = [], scalar_prefetch = 0 : i64, scratch_operands = 0 : i64, tpu.core_type = #tpu.core_type<tc>} {
    %get3A = arith.constant 0 : index
    %get3A_0 = arith.constant 0 : index
    %get3A_1 = vector.load %arg0[%get3A, %get3A_0] : memref<32x8192xf32, #tpu.memory_space<vmem>>, vector<32x8192xf32>
    %reduce_sum3A = arith.constant dense<0.000000e+00> : vector<8192xf32>
    %reduce_sum3A_2 = vector.multi_reduction <add>, %get3A_1, %reduce_sum3A [0] : vector<32x8192xf32> to vector<8192xf32>
    %broadcast_in_dim3A = vector.shape_cast %reduce_sum3A_2 : vector<8192xf32> to vector<1x8192xf32>
    %mul3A = arith.constant 6.10351563E-5 : f32
    %mul3A_3 = vector.broadcast %mul3A : f32 to vector<1x8192xf32>
    %mul3A_4 = arith.mulf %broadcast_in_dim3A, %mul3A_3 : vector<1x8192xf32>
    %add3A = arith.constant 1.000000e-10 : f32
    %add3A_5 = vector.broadcast %add3A : f32 to vector<1x8192xf32>
    %add3A_6 = arith.addf %mul3A_4, %add3A_5 : vector<1x8192xf32>
    %log3A = math.log %add3A_6 : vector<1x8192xf32>
    %mul3A_7 = arith.mulf %mul3A_4, %log3A : vector<1x8192xf32>
    %reduce_sum3A_8 = arith.constant dense<0.000000e+00> : vector<1xf32>
    %reduce_sum3A_9 = vector.multi_reduction <add>, %mul3A_7, %reduce_sum3A_8 [1] : vector<1x8192xf32> to vector<1xf32>
    %broadcast_in_dim3A_10 = vector.shape_cast %reduce_sum3A_9 : vector<1xf32> to vector<1x1xf32>
    %neg3A = arith.constant 0.000000e+00 : f32
    %neg3A_11 = vector.broadcast %neg3A : f32 to vector<1x1xf32>
    %neg3A_12 = arith.subf %neg3A_11, %broadcast_in_dim3A_10 : vector<1x1xf32>
    %exp3A = math.exp %neg3A_12 : vector<1x1xf32>
    %swap3A = arith.constant 0 : index
    %swap3A_13 = arith.constant 0 : index
    %swap3A_14 = vector.load %arg3[%swap3A, %swap3A_13] : memref<1x1xf32, #tpu.memory_space<vmem>>, vector<1x1xf32>
    tpu.vector_store %arg3[%swap3A, %swap3A_13], %exp3A {strides = array<i32>} : memref<1x1xf32, #tpu.memory_space<vmem>>, vector<1x1xf32>,
    %get3A_15 = arith.constant 0 : index
    %get3A_16 = arith.constant 0 : index
    %get3A_17 = vector.load %arg1[%get3A_15, %get3A_16] : memref<1x1xf32, #tpu.memory_space<vmem>>, vector<1x1xf32>
    %mul3A_18 = arith.constant 2.98023224E-7 : f32
    %mul3A_19 = vector.broadcast %mul3A_18 : f32 to vector<1x1xf32>
    %mul3A_20 = arith.mulf %get3A_17, %mul3A_19 : vector<1x1xf32>
    %swap3A_21 = arith.constant 0 : index
    %swap3A_22 = arith.constant 0 : index
    %swap3A_23 = vector.load %arg2[%swap3A_21, %swap3A_22] : memref<1x1xf32, #tpu.memory_space<vmem>>, vector<1x1xf32>
    tpu.vector_store %arg2[%swap3A_21, %swap3A_22], %mul3A_20 {strides = array<i32>} : memref<1x1xf32, #tpu.memory_space<vmem>>, vector<1x1xf32>,
    return
  }
}

</mosaic_0001>

<sc_bundles>
// kernel: kernel.5.cloned.1.call-start
scs
__scs_entry_jumppad:
0x0: {  	(pc) =	sbr.rel $0x88, $3  }
0x1: {  	(tag) =	ssettag $0x0;
	lr =	simm.s32 $0x1  }
0x2: {  	[smem:$0x3F9F] =	sst lr;
	_ =	strace $0xD0000000  }
0x3: {  	_ = 	snop  }
0x4: {  	_ = 	snop  }
0x5: {  	_ = 	snop  }
0x6: {  	_ = 	snop  }
0x7: {  	_ = 	snop  }
__scs_overlays_trampoline_lowered:
0x8: {  	[smem:$0x3FAE] =	sst s0  }
0x9: {  	[smem:$0x3FAF] =	sst s1  }
0xa: {  	[smem:$0x3FB0] =	sst s2  }
0xb: {  	[smem:$0x3FB1] =	sst s3  }
0xc: {  	[smem:$0x3FB2] =	sst s4  }
0xd: {  	[smem:$0x3FB3] =	sst s5  }
0xe: {  	[smem:$0x3FB4] =	sst s6  }
0xf: {  	[smem:$0x3FB5] =	sst s7  }
0x10: {  	[smem:$0x3FB6] =	sst s8  }
0x11: {  	[smem:$0x3FB7] =	sst s9;
	s0 =	simm.s32 @!p0 $0x0  }
0x12: {  	s1 =	sld [smem:$0x3F9D];
	s0 =	simm.s32 @p0 $0x1  }
0x13: {  	[smem:$0x3FB8] =	sst s0;
	s0 =	simm.s32 @!p1 $0x0  }
0x14: {  	s2 =	sld [smem:$0x3F9C];
	s0 =	simm.s32 @p1 $0x1  }
0x15: {  	[smem:$0x3FB9] =	sst s0;
	s0 =	simm.s32 @!p2 $0x0  }
0x16: {  	s3 =	sld [smem:$0x3FDB];
	s0 =	simm.s32 @p2 $0x1  }
0x17: {  	s4 =	simm.s32 $0x1BF5;
	[smem:$0x3FBB] =	sst s0  }
0x18: {  	s0 =	sld [smem:$0x3F9E];
	_ =	swait.ge [sflag:s4], $0x0  }
0x19: {  	s7 =	sld [smem:$0x3F9F]  }
0x1a: {  	s8 =	sadd.s32 $0xFFFFE003, lr  }
0x1b: {  	s9 =	sadd.s32 $0xFFFFFEF7, lr;
	s5 =	simm.s32 $0xFFFFFFFF;
	p2 =	slt.u32 s8, $0xFFFFF086  }
0x1c: {  	p1 =	slt.u32 s9, $0xF7A;
	s5 =	simm.s32 @!p2 $0x0  }
0x1d: {  	s5 =	simm.s32 @p1 $0x1;
	p0 =	seq.s32 s7, s2  }
0x1e: {  	s7 =	smul.u32 @!p0 $0xF7A, s2;
	p2 =	seq.s32 @!p0 s5, $0x0  }
0x1f: {  	s9 =	smul.u32 $0xF7A, s1;
	s8 =	simm.s32 @!p0 $0x1BF5;
	p2 =	por !p2, p0  }
0x20: {  	[sflag:s8] =	ssyncset.s32 @!p0 $0xFFFFF086;
	s6 =	sadd.s32 @!p0 s3, s7;
	s7 =	simm.s32 @!p0 $0x108  }
0x21: {  	s3 =	sadd.s32 s3, s9;
	s6 =	sadd.s32 @!p0 $0x88, s6;
	s7 =	simm.s32 @p2 $0x1082  }
0x22: {  	[simem:s7], [sflag:s8] =	dma.local @!p0 [hbm:s6], $0xF7A  }
0x23: {  	s9 =	sor.u32 $0xD0000000, s2;
	s6 =	simm.s32 $0x108;
	_ =	swait.ge @!p0 [sflag:s8], $0x0  }
0x24: {  	s3 =	sadd.s32 $0x88, s3;
	s6 =	simm.s32 @!p1 $0x1082;
	[sflag:s4] =	ssyncset.s32 $0xFFFFF086  }
0x25: {  	[simem:s6], [sflag:s4] =	dma.local [hbm:s3], $0xF7A  }
0x26: {  	[smem:$0x3F9F] =	sst s1;
	(tag) =	ssettag s2;
	_ =	strace s9  }
0x27: {  	s1 =	sld [smem:$0x3FAF]  }
0x28: {  	s2 =	sld [smem:$0x3FB0]  }
0x29: {  	s4 =	sld [smem:$0x3FB2]  }
0x2a: {  	p0 =	seq.s32 s5, $0x0;
	s5 =	sld [smem:$0x3FB3]  }
0x2b: {  	s6 =	sld [smem:$0x3FB4]  }
0x2c: {  	s7 =	sld [smem:$0x3FB5]  }
0x2d: {  	s3 =	simm.s32 $0x108;
	s8 =	sld [smem:$0x3FB6]  }
0x2e: {  	s3 =	simm.s32 @!p0 $0x1082;
	s9 =	sld [smem:$0x3FB7]  }
0x2f: {  	lr =	sadd.s32 s0, s3;
	s0 =	sld [smem:$0x3FAE]  }
0x30: {  	s3 =	sld [smem:$0x3FB1]  }
0x31: {  	[smem:$0x3FBA] =	sst s10  }
0x32: {  	s10 =	sld [smem:$0x3FB8];
	_ =	sdelay $0x3  }
0x33: {  	p0 =	seq.s32 s10, $0x1;
	s10 =	sld [smem:$0x3FBA];
	_ =	sdelay $0x3  }
0x34: {  	[smem:$0x3FBA] =	sst s10  }
0x35: {  	s10 =	sld [smem:$0x3FB9];
	_ =	sdelay $0x3  }
0x36: {  	p1 =	seq.s32 s10, $0x1;
	s10 =	sld [smem:$0x3FBA];
	_ =	sdelay $0x3  }
0x37: {  	[smem:$0x3FBA] =	sst s10  }
0x38: {  	s10 =	sld [smem:$0x3FBB]  }
0x39: {  	_ = 	snop;
	(pc) =	sbr.ind lr, $3  }
0x3a: {  	_ = 	snop  }
0x3b: {  	_ = 	snop  }
0x3c: {  	p2 =	seq.s32 s10, $0x1;
	s10 =	sld [smem:$0x3FBA]  }
0x3d: {  	_ =	shalt  }
0x3e: {  	_ =	shalt  }
0x3f: {  	_ =	shalt  }
0x40: {  	_ =	shalt  }
0x41: {  	_ =	shalt  }
0x42: {  	_ =	shalt  }
0x43: {  	_ =	shalt  }
0x44: {  	_ =	shalt  }
0x45: {  	_ =	shalt  }
0x46: {  	_ =	shalt  }
0x47: {  	_ =	shalt  }
0x48: {  	_ =	shalt  }
0x49: {  	_ =	shalt  }
0x4a: {  	_ =	shalt  }
0x4b: {  	_ =	shalt  }
0x4c: {  	_ =	shalt  }
0x4d: {  	_ =	shalt  }
0x4e: {  	_ =	shalt  }
0x4f: {  	_ =	shalt  }
0x50: {  	_ =	shalt  }
0x51: {  	_ =	shalt  }
0x52: {  	_ =	shalt  }
0x53: {  	_ =	shalt  }
0x54: {  	_ =	shalt  }
0x55: {  	_ =	shalt  }
0x56: {  	_ =	shalt  }
0x57: {  	_ =	shalt  }
0x58: {  	_ =	shalt  }
0x59: {  	_ =	shalt  }
0x5a: {  	_ =	shalt  }
0x5b: {  	_ =	shalt  }
0x5c: {  	_ =	shalt  }
0x5d: {  	_ =	shalt  }
0x5e: {  	_ =	shalt  }
0x5f: {  	_ =	shalt  }
0x60: {  	_ =	shalt  }
0x61: {  	_ =	shalt  }
0x62: {  	_ =	shalt  }
0x63: {  	_ =	shalt  }
0x64: {  	_ =	shalt  }
0x65: {  	_ =	shalt  }
0x66: {  	_ =	shalt  }
0x67: {  	_ =	shalt  }
0x68: {  	_ =	shalt  }
0x69: {  	_ =	shalt  }
0x6a: {  	_ =	shalt  }
0x6b: {  	_ =	shalt  }
0x6c: {  	_ =	shalt  }
0x6d: {  	_ =	shalt  }
0x6e: {  	_ =	shalt  }
0x6f: {  	_ =	shalt  }
0x70: {  	_ =	shalt  }
0x71: {  	_ =	shalt  }
0x72: {  	_ =	shalt  }
0x73: {  	_ =	shalt  }
0x74: {  	_ =	shalt  }
0x75: {  	_ =	shalt  }
0x76: {  	_ =	shalt  }
0x77: {  	_ =	shalt  }
0x78: {  	_ =	shalt  }
0x79: {  	_ =	shalt  }
0x7a: {  	_ =	shalt  }
0x7b: {  	_ =	shalt  }
0x7c: {  	_ =	shalt  }
0x7d: {  	_ =	shalt  }
0x7e: {  	_ =	shalt  }
0x7f: {  	_ =	shalt  }
0x80: {  	_ =	shalt  }
0x81: {  	_ =	shalt  }
0x82: {  	_ =	shalt  }
0x83: {  	_ =	shalt  }
0x84: {  	_ =	shalt  }
0x85: {  	_ =	shalt  }
0x86: {  	_ =	shalt  }
0x87: {  	_ =	shalt  }
.Lfunc_end0:
.L_simem_size_0:
called_computation_lowered:
.L_overlay_start_0:
0x88: {  	s2 =	sld [smem:$0x3FD9]  }
0x89: {  	s3 =	sld [smem:$0x3FFE];
	_ =	sdelay $0x1  }
0x8a: {  	s1 =	srdreg.scid  }
0x8b: {  	s0 =	sand.u32 $0x1, s1  }
0x8c: {  	s14 =	sshll.u32 s0, $0xA;
	s2 =	sadd.s32 s3, s2  }
0x8d: {  	s2 =	sadd.s32 s2, s14  }
0x8e: {  	[smem:$0x3FC6] =	sst s2  }
0x8f: {  	_ = 	snop  }
0x90: {  	s2 =	sld [smem:$0x3FD0];
	_ =	sdelay $0x2  }
0x91: {  	s4 =	simm.s32 $0xA;
	s5 =	simm.s32 $0x10;
	s15 =	sld [smem:$0x3FC8]  }
0x92: {  	[smem:s5], [sflag:s4] =	dma.local [hbm:s2], $0x1  }
0x93: {  	_ =	swait.eq [sflag:s4], $0x1  }
0x94: {  	[sflag:s4] =	ssyncset.done $0x0  }
0x95: {  	[sflag:s4] =	ssyncadd.s32 $0xFFFFFFFF  }
0x96: {  	s16 =	sld [smem:$0x11];
	(tm) =	ssettm $0x1  }
0x97: {  	s17 =	sld [smem:$0x3FFB];
	_ =	sdelay $0x3  }
0x98: {  	_ =	strace s17  }
0x99: {  	s4 =	sld [smem:$0x3FFC];
	_ =	sdelay $0x3  }
0x9a: {  	_ =	strace s4  }
0x9b: {  	s4 =	sld [smem:$0x3FFD];
	_ =	sdelay $0x3  }
0x9c: {  	_ =	strace s4  }
0x9d: {  	_ =	strace $0x8FFFFFFF  }
0x9e: {  	s18 =	sld [smem:$0x3FDB];
	_ =	sdelay $0x1  }
0x9f: {  	s19 =	simm.s32 $_scs_section_size  }
0xa0: {  	s6 =	simm.s32 $_size__tile_overlayer_lowered;
	s7 =	simm.s32 $_tile_overlayer_lowered  }
0xa1: {  	s22 =	simm.s32 $0x1BFF;
	s21 =	sshll.u32 s7, $0x1;
	s4 =	sadd.s32 s19, s18  }
0xa2: {  	s8 =	simm.s32 $0x0;
	s20 =	sshll.u32 s6, $0x1;
	s6 =	sadd.s32 s21, s4  }
0xa3: {  	[timem:s8], [sflag:s22] =	dma.local [hbm:s6], s20  }
0xa4: {  	_ =	swait.ge [sflag:s22], s20  }
0xa5: {  	s5 =	ssub.s32 $0x0, s20;
	[sflag:s22] =	ssyncset.done $0x0  }
0xa6: {  	[sflag:s22] =	ssyncadd.s32 s5;
	_ =	sdelay $0x1  }
0xa7: {  	s23 =	simm.s32 $0x1B8B  }
0xa8: {  	_ =	swait.ge [sflag:s23], $0x1  }
0xa9: {  	[sflag:s23] =	ssyncset.done $0x0  }
0xaa: {  	s25 =	simm.s32 $0x1B8E;
	s24 =	sld [smem:$0x3FFE];
	[sflag:s23] =	ssyncadd.s32 $0xFFFFFFFF  }
0xab: {  	s26 =	simm.s32 $execute0_lowered;
	[smem:$0x3FD2] =	sst s25  }
0xac: {  	s6 =	sshll.u32 s26, $0x1;
	_ =	strace $0x80000046;
	[dreg:$0x1] =	wrdreg $0xFFFFFFFF  }
0xad: {  	s28 =	simm.s32 $_size_execute0_lowered;
	s4 =	sadd.s32 s4, s6;
	[dreg:$0x0] =	wrdreg $0x0  }
0xae: {  	s6 =	sshll.u32 s28, $0x1;
	[dreg:$0x2] =	wrdreg s4  }
0xaf: {  	[dreg:$0x3] =	wrdreg s6  }
0xb0: {  	[dreg:$0x4] =	wrdreg $0xC0  }
0xb1: {  	_ =	task [dreg:s8], $0x5FFFF  }
0xb2: {  	[dreg:$0x1] =	wrdreg $0xFFFFFFFF  }
0xb3: {  	[dreg:$0x0] =	wrdreg $0x60  }
0xb4: {  	[dreg:$0x2] =	wrdreg s15  }
0xb5: {  	[dreg:$0x3] =	wrdreg s24  }
0xb6: {  	[dreg:$0x4] =	wrdreg s16  }
0xb7: {  	[dreg:$0x5] =	wrdreg $0x9  }
0xb8: {  	_ =	task.clear_ibuf [dreg:s8], $0x6FFFF;
	_ =	strace $0x90000046  }
0xb9: {  	s29 =	simm.s32 $0x9;
	_ =	strace $0x80000048  }
0xba: {  	_ =	swait.ge [sflag:s29], $0x1  }
0xbb: {  	[sflag:s29] =	ssyncadd.s32 $0xFFFFFFFF  }
0xbc: {  	_ =	strace $0x90000048  }
0xbd: {  	_ =	sfence  }
0xbe: {  	s30 =	sld [smem:$0x0];
	_ =	sdelay $0x2  }
0xbf: {  	s31 =	sshll.u32 s1, $0xD;
	s1 =	sshrl.u32 s1, $0x2  }
0xc0: {  	s3 =	sand.u32 $0x4000, s31;
	s1 =	sadd.s32 s1, s30  }
0xc1: {  	s0 =	sor.u32 s3, s0;
	s1 =	sshll.u32 s1, $0x11  }
0xc2: {  	s0 =	sor.u32 s1, s0  }
0xc3: {  	s0 =	sadd.s32 $0x8F2B, s0  }
0xc4: {  	[sflag:s0] =	ssyncadd.remote.s32 $0x1  }
0xc5: {  	_ =	sfence.sel $0xFFFF  }
0xc6: {  	[dreg:$0x0] =	wrdreg $0xFFFFFFFF;
	(pc) =	sbr.abs _section_cstart, $3  }
0xc7: {  	[dreg:$0x1] =	wrdreg $0xFFFFFFFF  }
0xc8: {  	_ =	task.clear_ibuf [dreg:s8], $0x2FFFF;
	_ =	strace $0x9FFFFFFF  }
0xc9: {  	(tm) =	ssettm $0x7FFFFFFF  }
tec
execute0_lowered:
.L_overlay_start_1:
0x0: {  	(tag) =	ssettag $0x1  }
0x1: {  	s1 =	rddreg [dreg:$0x0]  }
0x2: {  	s0 =	rddreg [dreg:$0x1]  }
0x3: {  	s2 =	rddreg [dreg:$0x2]  }
0x4: {  	s4 =	srdreg.scid;
	s7 =	stileid.u32  }
0x5: {  	s3 =	simm.s32 $0x0;
	s11 =	simm.s32 $0x2;
	s12 =	simm.s32 $0x200  }
0x6: {  	s13 =	simm.s32 $0xA00;
	s14 =	simm.s32 $0x1200;
	s15 =	simm.s32 $0x1A00  }
0x7: {  	s16 =	simm.s32 $0x2200;
	s17 =	simm.s32 $0x2A00;
	s18 =	simm.s32 $0x3200  }
0x8: {  	s19 =	simm.s32 $0x3A00;
	s20 =	simm.s32 $0x4200;
	s21 =	simm.s32 $0x4A00  }
0x9: {  	s22 =	simm.s32 $0x5200;
	s23 =	simm.s32 $0x5A00;
	s24 =	simm.s32 $0x6200  }
0xa: {  	s25 =	simm.s32 $0x6A00;
	s28 =	simm.s32 $0x7A00;
	s29 =	simm.s32 $0x1  }
0xb: {  	s30 =	simm.s32 $0x8200;
	s4 =	sand.u32 $0x1, s4;
	s5 =	sshll.u32 s7, $0x1  }
0xc: {  	[smem:$0x7FF] =	sst s3;
	s7 =	sshll.u32 s7, $0xB;
	s5 =	sor.u32 s4, s5  }
0xd: {  	_ =	strace $0x80000047;
	s7 =	sand.u32 $0x6000, s7;
	s4 =	ssub.s32 $0x2, s4  }
0xe: {  	s6 =	sshll.u32 s5, $0x6;
	s26 =	sshrl.u32 s4, $0x1;
	s8 =	sshll.u32 s5, $0xE  }
0xf: {  	s31 =	sshll.u32 s5, $0x4;
	s6 =	sadd.s32 s6, s0;
	s0 =	sadd.s32 s7, s0  }
0x10: {  	s10 =	ssub.s32 s4, s26;
	s4 =	sadd.s32 s2, s8;
	s2 =	sand.u32 $0x70, s31  }
0x11: {  	v2 =	vlaneseq.u32;
	vm0 =	vmmov $0xffff;
	s26 =	simm.s32 $0x7200;
	s5 =	sadd.s32 $0x800, s6;
	s6 =	sadd.s32 $0x1000, s4  }
0x12: {  	v3 =	vimm.f32 $0.0e+00;
	v4 =	vimm.f32 $1.000000000e+00;
	v1 =	vshrl.u32 v2, $0x3;
	s7 =	sadd.s32 $0x2000, s4;
	s8 =	sadd.s32 $0x3000, s4;
	s0 =	sadd.s32 s2, s0  }
0x13: {  	v0 =	vand.u32 $0x7, v2;
	v2 =	vor.u32 $0x8, v2;
	v1 =	vmul.u32 $0x8, v1;
	s10 =	smax.u32 s10, $0x1;
	s2 =	simm.s32 $0x0;
	s9 =	sadd.s32 $0x1000, s0  }
.LBB2_1:
0x14: {  	[tilespmem:s3], [sflag:$0x2] =	stream.linear.gather [hbm4b:s5+s3], $0x200, $0x38;
	[tilespmem:$0xA200] =	vst v63  }
0x15: {  	_ =	swait.ge [sflag:s11], $0x200  }
0x16: {  	[sflag:s11] =	ssyncset.done $0x0  }
0x17: {  	[sflag:s11] =	ssyncadd.s32 $0xFFFFFE00  }
0x18: {  	v5 =	vld [tilespmem:$0x0];
	_ =	sdelay $0x4  }
0x19: {  	v6 =	vshll.u32 v5, $0x1  }
0x1a: {  	v5 =	vand.u32 $0x7, v5;
	v6 =	vand.u32 $0xFFFFFFF0, v6  }
0x1b: {  	v5 =	vor.u32 v5, v6  }
0x1c: {  	v6 =	vperm.xlane v5, v0;
	_ =	sdelay $0x1  }
0x1d: {  	v5 =	vperm.xlane v5, v2;
	v6 =	vadd.s32 v1, v6;
	_ =	sdelay $0x1  }
0x1e: {  	v5 =	vadd.s32 v1, v5;
	_ =	sdelay $0x2  }
0x1f: {  	[tilespmem:s12], [sflag:$0x1] =	stream.indirect_vreg.gather [hbm4b:s1+s3], $0x80, v6, vm0, $0xb8;
	[tilespmem:$0xA200] =	vst v63  }
0x20: {  	_ = 	snop  }
0x21: {  	[tilespmem:s13], [sflag:$0x1] =	stream.indirect_vreg.gather [hbm4b:s1+s3], $0x80, v5, vm0, $0xb8;
	[tilespmem:$0xA200] =	vst v63  }
0x22: {  	v5 =	vld [tilespmem:$0x10];
	_ =	sdelay $0x4  }
0x23: {  	v6 =	vshll.u32 v5, $0x1  }
0x24: {  	v5 =	vand.u32 $0x7, v5;
	v6 =	vand.u32 $0xFFFFFFF0, v6  }
0x25: {  	v5 =	vor.u32 v5, v6  }
0x26: {  	v6 =	vperm.xlane v5, v0;
	_ =	sdelay $0x1  }
0x27: {  	v5 =	vperm.xlane v5, v2;
	v6 =	vadd.s32 v1, v6;
	_ =	sdelay $0x1  }
0x28: {  	v5 =	vadd.s32 v1, v5;
	_ =	sdelay $0x2  }
0x29: {  	[tilespmem:s14], [sflag:$0x1] =	stream.indirect_vreg.gather [hbm4b:s1+s3], $0x80, v6, vm0, $0xb8;
	[tilespmem:$0xA200] =	vst v63  }
0x2a: {  	_ = 	snop  }
0x2b: {  	[tilespmem:s15], [sflag:$0x1] =	stream.indirect_vreg.gather [hbm4b:s1+s3], $0x80, v5, vm0, $0xb8;
	[tilespmem:$0xA200] =	vst v63  }
0x2c: {  	v5 =	vld [tilespmem:$0x20];
	_ =	sdelay $0x4  }
0x2d: {  	v6 =	vshll.u32 v5, $0x1  }
0x2e: {  	v5 =	vand.u32 $0x7, v5;
	v6 =	vand.u32 $0xFFFFFFF0, v6  }
0x2f: {  	v5 =	vor.u32 v5, v6  }
0x30: {  	v6 =	vperm.xlane v5, v0;
	_ =	sdelay $0x1  }
0x31: {  	v5 =	vperm.xlane v5, v2;
	v6 =	vadd.s32 v1, v6;
	_ =	sdelay $0x1  }
0x32: {  	v5 =	vadd.s32 v1, v5;
	_ =	sdelay $0x2  }
0x33: {  	[tilespmem:s16], [sflag:$0x1] =	stream.indirect_vreg.gather [hbm4b:s1+s3], $0x80, v6, vm0, $0xb8;
	[tilespmem:$0xA200] =	vst v63  }
0x34: {  	_ = 	snop  }
0x35: {  	[tilespmem:s17], [sflag:$0x1] =	stream.indirect_vreg.gather [hbm4b:s1+s3], $0x80, v5, vm0, $0xb8;
	[tilespmem:$0xA200] =	vst v63  }
0x36: {  	v5 =	vld [tilespmem:$0x30];
	_ =	sdelay $0x4  }
0x37: {  	v6 =	vshll.u32 v5, $0x1  }
0x38: {  	v5 =	vand.u32 $0x7, v5;
	v6 =	vand.u32 $0xFFFFFFF0, v6  }
0x39: {  	v5 =	vor.u32 v5, v6  }
0x3a: {  	v6 =	vperm.xlane v5, v0;
	_ =	sdelay $0x1  }
0x3b: {  	v5 =	vperm.xlane v5, v2;
	v6 =	vadd.s32 v1, v6;
	_ =	sdelay $0x1  }
0x3c: {  	v5 =	vadd.s32 v1, v5;
	_ =	sdelay $0x2  }
0x3d: {  	[tilespmem:s18], [sflag:$0x1] =	stream.indirect_vreg.gather [hbm4b:s1+s3], $0x80, v6, vm0, $0xb8;
	[tilespmem:$0xA200] =	vst v63  }
0x3e: {  	_ = 	snop  }
0x3f: {  	[tilespmem:s19], [sflag:$0x1] =	stream.indirect_vreg.gather [hbm4b:s1+s3], $0x80, v5, vm0, $0xb8;
	[tilespmem:$0xA200] =	vst v63  }
0x40: {  	v5 =	vld [tilespmem:$0x40];
	_ =	sdelay $0x4  }
0x41: {  	v6 =	vshll.u32 v5, $0x1  }
0x42: {  	v5 =	vand.u32 $0x7, v5;
	v6 =	vand.u32 $0xFFFFFFF0, v6  }
0x43: {  	v5 =	vor.u32 v5, v6  }
0x44: {  	v6 =	vperm.xlane v5, v0;
	_ =	sdelay $0x1  }
0x45: {  	v5 =	vperm.xlane v5, v2;
	v6 =	vadd.s32 v1, v6;
	_ =	sdelay $0x1  }
0x46: {  	v5 =	vadd.s32 v1, v5;
	_ =	sdelay $0x2  }
0x47: {  	[tilespmem:s20], [sflag:$0x1] =	stream.indirect_vreg.gather [hbm4b:s1+s3], $0x80, v6, vm0, $0xb8;
	[tilespmem:$0xA200] =	vst v63  }
0x48: {  	_ = 	snop  }
0x49: {  	[tilespmem:s21], [sflag:$0x1] =	stream.indirect_vreg.gather [hbm4b:s1+s3], $0x80, v5, vm0, $0xb8;
	[tilespmem:$0xA200] =	vst v63  }
0x4a: {  	v5 =	vld [tilespmem:$0x50];
	_ =	sdelay $0x4  }
0x4b: {  	v6 =	vshll.u32 v5, $0x1  }
0x4c: {  	v5 =	vand.u32 $0x7, v5;
	v6 =	vand.u32 $0xFFFFFFF0, v6  }
0x4d: {  	v5 =	vor.u32 v5, v6  }
0x4e: {  	v6 =	vperm.xlane v5, v0;
	_ =	sdelay $0x1  }
0x4f: {  	v5 =	vperm.xlane v5, v2;
	v6 =	vadd.s32 v1, v6;
	_ =	sdelay $0x1  }
0x50: {  	v5 =	vadd.s32 v1, v5;
	_ =	sdelay $0x2  }
0x51: {  	[tilespmem:s22], [sflag:$0x1] =	stream.indirect_vreg.gather [hbm4b:s1+s3], $0x80, v6, vm0, $0xb8;
	[tilespmem:$0xA200] =	vst v63  }
0x52: {  	_ = 	snop  }
0x53: {  	[tilespmem:s23], [sflag:$0x1] =	stream.indirect_vreg.gather [hbm4b:s1+s3], $0x80, v5, vm0, $0xb8;
	[tilespmem:$0xA200] =	vst v63  }
0x54: {  	v5 =	vld [tilespmem:$0x60];
	_ =	sdelay $0x4  }
0x55: {  	v6 =	vshll.u32 v5, $0x1  }
0x56: {  	v5 =	vand.u32 $0x7, v5;
	v6 =	vand.u32 $0xFFFFFFF0, v6  }
0x57: {  	v5 =	vor.u32 v5, v6  }
0x58: {  	v6 =	vperm.xlane v5, v0;
	_ =	sdelay $0x1  }
0x59: {  	v5 =	vperm.xlane v5, v2;
	v6 =	vadd.s32 v1, v6;
	_ =	sdelay $0x1  }
0x5a: {  	v5 =	vadd.s32 v1, v5;
	_ =	sdelay $0x2  }
0x5b: {  	[tilespmem:s24], [sflag:$0x1] =	stream.indirect_vreg.gather [hbm4b:s1+s3], $0x80, v6, vm0, $0xb8;
	[tilespmem:$0xA200] =	vst v63  }
0x5c: {  	_ = 	snop  }
0x5d: {  	[tilespmem:s25], [sflag:$0x1] =	stream.indirect_vreg.gather [hbm4b:s1+s3], $0x80, v5, vm0, $0xb8;
	[tilespmem:$0xA200] =	vst v63  }
0x5e: {  	v5 =	vld [tilespmem:$0x70];
	_ =	sdelay $0x4  }
0x5f: {  	v6 =	vshll.u32 v5, $0x1  }
0x60: {  	v5 =	vand.u32 $0x7, v5;
	v6 =	vand.u32 $0xFFFFFFF0, v6  }
0x61: {  	v5 =	vor.u32 v5, v6  }
0x62: {  	v6 =	vperm.xlane v5, v0;
	_ =	sdelay $0x1  }
0x63: {  	v5 =	vperm.xlane v5, v2;
	v6 =	vadd.s32 v1, v6;
	_ =	sdelay $0x1  }
0x64: {  	v5 =	vadd.s32 v1, v5;
	_ =	sdelay $0x2  }
0x65: {  	[tilespmem:s26], [sflag:$0x1] =	stream.indirect_vreg.gather [hbm4b:s1+s3], $0x80, v6, vm0, $0xb8;
	[tilespmem:$0xA200] =	vst v63  }
0x66: {  	_ = 	snop  }
0x67: {  	[tilespmem:s28], [sflag:$0x1] =	stream.indirect_vreg.gather [hbm4b:s1+s3], $0x80, v5, vm0, $0xb8;
	[tilespmem:$0xA200] =	vst v63  }
0x68: {  	_ =	swait.ge [sflag:s29], $0x8000  }
0x69: {  	[sflag:s29] =	ssyncset.done $0x0  }
0x6a: {  	[sflag:s29] =	ssyncadd.s32 $0xFFFF8000  }
0x6b: {  	[hbm4b:s4+s3] =	stream.linear.scatter [tilespmem:s12], [sflag:$0x2], $0x8000, $0x38;
	[tilespmem:$0xA200] =	vst v63  }
0x6c: {  	_ =	swait.ge [sflag:s11], $0x8000  }
0x6d: {  	[sflag:s11] =	ssyncset.done $0x0  }
0x6e: {  	[sflag:s11] =	ssyncadd.s32 $0xFFFF8000  }
0x6f: {  	v5 =	vld [tilespmem:$0x80];
	_ =	sdelay $0x4  }
0x70: {  	v6 =	vshll.u32 v5, $0x1  }
0x71: {  	v5 =	vand.u32 $0x7, v5;
	v6 =	vand.u32 $0xFFFFFFF0, v6  }
0x72: {  	v5 =	vor.u32 v5, v6  }
0x73: {  	v6 =	vperm.xlane v5, v0;
	_ =	sdelay $0x1  }
0x74: {  	v5 =	vperm.xlane v5, v2;
	v6 =	vadd.s32 v1, v6;
	_ =	sdelay $0x1  }
0x75: {  	v5 =	vadd.s32 v1, v5;
	_ =	sdelay $0x2  }
0x76: {  	[tilespmem:s12], [sflag:$0x1] =	stream.indirect_vreg.gather [hbm4b:s1+s3], $0x80, v6, vm0, $0xb8;
	[tilespmem:$0xA200] =	vst v63  }
0x77: {  	_ = 	snop  }
0x78: {  	[tilespmem:s13], [sflag:$0x1] =	stream.indirect_vreg.gather [hbm4b:s1+s3], $0x80, v5, vm0, $0xb8;
	[tilespmem:$0xA200] =	vst v63  }
0x79: {  	v5 =	vld [tilespmem:$0x90];
	_ =	sdelay $0x4  }
0x7a: {  	v6 =	vshll.u32 v5, $0x1  }
0x7b: {  	v5 =	vand.u32 $0x7, v5;
	v6 =	vand.u32 $0xFFFFFFF0, v6  }
0x7c: {  	v5 =	vor.u32 v5, v6  }
0x7d: {  	v6 =	vperm.xlane v5, v0;
	_ =	sdelay $0x1  }
0x7e: {  	v5 =	vperm.xlane v5, v2;
	v6 =	vadd.s32 v1, v6;
	_ =	sdelay $0x1  }
0x7f: {  	v5 =	vadd.s32 v1, v5;
	_ =	sdelay $0x2  }
0x80: {  	[tilespmem:s14], [sflag:$0x1] =	stream.indirect_vreg.gather [hbm4b:s1+s3], $0x80, v6, vm0, $0xb8;
	[tilespmem:$0xA200] =	vst v63  }
0x81: {  	_ = 	snop  }
0x82: {  	[tilespmem:s15], [sflag:$0x1] =	stream.indirect_vreg.gather [hbm4b:s1+s3], $0x80, v5, vm0, $0xb8;
	[tilespmem:$0xA200] =	vst v63  }
0x83: {  	v5 =	vld [tilespmem:$0xA0];
	_ =	sdelay $0x4  }
0x84: {  	v6 =	vshll.u32 v5, $0x1  }
0x85: {  	v5 =	vand.u32 $0x7, v5;
	v6 =	vand.u32 $0xFFFFFFF0, v6  }
0x86: {  	v5 =	vor.u32 v5, v6  }
0x87: {  	v6 =	vperm.xlane v5, v0;
	_ =	sdelay $0x1  }
0x88: {  	v5 =	vperm.xlane v5, v2;
	v6 =	vadd.s32 v1, v6;
	_ =	sdelay $0x1  }
0x89: {  	v5 =	vadd.s32 v1, v5;
	_ =	sdelay $0x2  }
0x8a: {  	[tilespmem:s16], [sflag:$0x1] =	stream.indirect_vreg.gather [hbm4b:s1+s3], $0x80, v6, vm0, $0xb8;
	[tilespmem:$0xA200] =	vst v63  }
0x8b: {  	_ = 	snop  }
0x8c: {  	[tilespmem:s17], [sflag:$0x1] =	stream.indirect_vreg.gather [hbm4b:s1+s3], $0x80, v5, vm0, $0xb8;
	[tilespmem:$0xA200] =	vst v63  }
0x8d: {  	v5 =	vld [tilespmem:$0xB0];
	_ =	sdelay $0x4  }
0x8e: {  	v6 =	vshll.u32 v5, $0x1  }
0x8f: {  	v5 =	vand.u32 $0x7, v5;
	v6 =	vand.u32 $0xFFFFFFF0, v6  }
0x90: {  	v5 =	vor.u32 v5, v6  }
0x91: {  	v6 =	vperm.xlane v5, v0;
	_ =	sdelay $0x1  }
0x92: {  	v5 =	vperm.xlane v5, v2;
	v6 =	vadd.s32 v1, v6;
	_ =	sdelay $0x1  }
0x93: {  	v5 =	vadd.s32 v1, v5;
	_ =	sdelay $0x2  }
0x94: {  	[tilespmem:s18], [sflag:$0x1] =	stream.indirect_vreg.gather [hbm4b:s1+s3], $0x80, v6, vm0, $0xb8;
	[tilespmem:$0xA200] =	vst v63  }
0x95: {  	_ = 	snop  }
0x96: {  	[tilespmem:s19], [sflag:$0x1] =	stream.indirect_vreg.gather [hbm4b:s1+s3], $0x80, v5, vm0, $0xb8;
	[tilespmem:$0xA200] =	vst v63  }
0x97: {  	v5 =	vld [tilespmem:$0xC0];
	_ =	sdelay $0x4  }
0x98: {  	v6 =	vshll.u32 v5, $0x1  }
0x99: {  	v5 =	vand.u32 $0x7, v5;
	v6 =	vand.u32 $0xFFFFFFF0, v6  }
0x9a: {  	v5 =	vor.u32 v5, v6  }
0x9b: {  	v6 =	vperm.xlane v5, v0;
	_ =	sdelay $0x1  }
0x9c: {  	v5 =	vperm.xlane v5, v2;
	v6 =	vadd.s32 v1, v6;
	_ =	sdelay $0x1  }
0x9d: {  	v5 =	vadd.s32 v1, v5;
	_ =	sdelay $0x2  }
0x9e: {  	[tilespmem:s20], [sflag:$0x1] =	stream.indirect_vreg.gather [hbm4b:s1+s3], $0x80, v6, vm0, $0xb8;
	[tilespmem:$0xA200] =	vst v63  }
0x9f: {  	_ = 	snop  }
0xa0: {  	[tilespmem:s21], [sflag:$0x1] =	stream.indirect_vreg.gather [hbm4b:s1+s3], $0x80, v5, vm0, $0xb8;
	[tilespmem:$0xA200] =	vst v63  }
0xa1: {  	v5 =	vld [tilespmem:$0xD0];
	_ =	sdelay $0x4  }
0xa2: {  	v6 =	vshll.u32 v5, $0x1  }
0xa3: {  	v5 =	vand.u32 $0x7, v5;
	v6 =	vand.u32 $0xFFFFFFF0, v6  }
0xa4: {  	v5 =	vor.u32 v5, v6  }
0xa5: {  	v6 =	vperm.xlane v5, v0;
	_ =	sdelay $0x1  }
0xa6: {  	v5 =	vperm.xlane v5, v2;
	v6 =	vadd.s32 v1, v6;
	_ =	sdelay $0x1  }
0xa7: {  	v5 =	vadd.s32 v1, v5;
	_ =	sdelay $0x2  }
0xa8: {  	[tilespmem:s22], [sflag:$0x1] =	stream.indirect_vreg.gather [hbm4b:s1+s3], $0x80, v6, vm0, $0xb8;
	[tilespmem:$0xA200] =	vst v63  }
0xa9: {  	_ = 	snop  }
0xaa: {  	[tilespmem:s23], [sflag:$0x1] =	stream.indirect_vreg.gather [hbm4b:s1+s3], $0x80, v5, vm0, $0xb8;
	[tilespmem:$0xA200] =	vst v63  }
0xab: {  	v5 =	vld [tilespmem:$0xE0];
	_ =	sdelay $0x4  }
0xac: {  	v6 =	vshll.u32 v5, $0x1  }
0xad: {  	v5 =	vand.u32 $0x7, v5;
	v6 =	vand.u32 $0xFFFFFFF0, v6  }
0xae: {  	v5 =	vor.u32 v5, v6  }
0xaf: {  	v6 =	vperm.xlane v5, v0;
	_ =	sdelay $0x1  }
0xb0: {  	v5 =	vperm.xlane v5, v2;
	v6 =	vadd.s32 v1, v6;
	_ =	sdelay $0x1  }
0xb1: {  	v5 =	vadd.s32 v1, v5;
	_ =	sdelay $0x2  }
0xb2: {  	[tilespmem:s24], [sflag:$0x1] =	stream.indirect_vreg.gather [hbm4b:s1+s3], $0x80, v6, vm0, $0xb8;
	[tilespmem:$0xA200] =	vst v63  }
0xb3: {  	_ = 	snop  }
0xb4: {  	[tilespmem:s25], [sflag:$0x1] =	stream.indirect_vreg.gather [hbm4b:s1+s3], $0x80, v5, vm0, $0xb8;
	[tilespmem:$0xA200] =	vst v63  }
0xb5: {  	v5 =	vld [tilespmem:$0xF0];
	_ =	sdelay $0x4  }
0xb6: {  	v6 =	vshll.u32 v5, $0x1  }
0xb7: {  	v5 =	vand.u32 $0x7, v5;
	v6 =	vand.u32 $0xFFFFFFF0, v6  }
0xb8: {  	v5 =	vor.u32 v5, v6  }
0xb9: {  	v6 =	vperm.xlane v5, v0;
	_ =	sdelay $0x1  }
0xba: {  	v5 =	vperm.xlane v5, v2;
	v6 =	vadd.s32 v1, v6;
	_ =	sdelay $0x1  }
0xbb: {  	v5 =	vadd.s32 v1, v5;
	_ =	sdelay $0x2  }
0xbc: {  	[tilespmem:s26], [sflag:$0x1] =	stream.indirect_vreg.gather [hbm4b:s1+s3], $0x80, v6, vm0, $0xb8;
	[tilespmem:$0xA200] =	vst v63  }
0xbd: {  	_ = 	snop  }
0xbe: {  	[tilespmem:s28], [sflag:$0x1] =	stream.indirect_vreg.gather [hbm4b:s1+s3], $0x80, v5, vm0, $0xb8;
	[tilespmem:$0xA200] =	vst v63  }
0xbf: {  	_ =	swait.ge [sflag:s29], $0x8000  }
0xc0: {  	[sflag:s29] =	ssyncset.done $0x0  }
0xc1: {  	[sflag:s29] =	ssyncadd.s32 $0xFFFF8000  }
0xc2: {  	[hbm4b:s6+s3] =	stream.linear.scatter [tilespmem:s12], [sflag:$0x2], $0x8000, $0x38;
	[tilespmem:$0xA200] =	vst v63  }
0xc3: {  	_ =	swait.ge [sflag:s11], $0x8000  }
0xc4: {  	[sflag:s11] =	ssyncset.done $0x0  }
0xc5: {  	[sflag:s11] =	ssyncadd.s32 $0xFFFF8000  }
0xc6: {  	v5 =	vld [tilespmem:$0x100];
	_ =	sdelay $0x4  }
0xc7: {  	v6 =	vshll.u32 v5, $0x1  }
0xc8: {  	v5 =	vand.u32 $0x7, v5;
	v6 =	vand.u32 $0xFFFFFFF0, v6  }
0xc9: {  	v5 =	vor.u32 v5, v6  }
0xca: {  	v6 =	vperm.xlane v5, v0;
	_ =	sdelay $0x1  }
0xcb: {  	v5 =	vperm.xlane v5, v2;
	v6 =	vadd.s32 v1, v6;
	_ =	sdelay $0x1  }
0xcc: {  	v5 =	vadd.s32 v1, v5;
	_ =	sdelay $0x2  }
0xcd: {  	[tilespmem:s12], [sflag:$0x1] =	stream.indirect_vreg.gather [hbm4b:s1+s3], $0x80, v6, vm0, $0xb8;
	[tilespmem:$0xA200] =	vst v63  }
0xce: {  	_ = 	snop  }
0xcf: {  	[tilespmem:s13], [sflag:$0x1] =	stream.indirect_vreg.gather [hbm4b:s1+s3], $0x80, v5, vm0, $0xb8;
	[tilespmem:$0xA200] =	vst v63  }
0xd0: {  	v5 =	vld [tilespmem:$0x110];
	_ =	sdelay $0x4  }
0xd1: {  	v6 =	vshll.u32 v5, $0x1  }
0xd2: {  	v5 =	vand.u32 $0x7, v5;
	v6 =	vand.u32 $0xFFFFFFF0, v6  }
0xd3: {  	v5 =	vor.u32 v5, v6  }
0xd4: {  	v6 =	vperm.xlane v5, v0;
	_ =	sdelay $0x1  }
0xd5: {  	v5 =	vperm.xlane v5, v2;
	v6 =	vadd.s32 v1, v6;
	_ =	sdelay $0x1  }
0xd6: {  	v5 =	vadd.s32 v1, v5;
	_ =	sdelay $0x2  }
0xd7: {  	[tilespmem:s14], [sflag:$0x1] =	stream.indirect_vreg.gather [hbm4b:s1+s3], $0x80, v6, vm0, $0xb8;
	[tilespmem:$0xA200] =	vst v63  }
0xd8: {  	_ = 	snop  }
0xd9: {  	[tilespmem:s15], [sflag:$0x1] =	stream.indirect_vreg.gather [hbm4b:s1+s3], $0x80, v5, vm0, $0xb8;
	[tilespmem:$0xA200] =	vst v63  }
0xda: {  	v5 =	vld [tilespmem:$0x120];
	_ =	sdelay $0x4  }
0xdb: {  	v6 =	vshll.u32 v5, $0x1  }
0xdc: {  	v5 =	vand.u32 $0x7, v5;
	v6 =	vand.u32 $0xFFFFFFF0, v6  }
0xdd: {  	v5 =	vor.u32 v5, v6  }
0xde: {  	v6 =	vperm.xlane v5, v0;
	_ =	sdelay $0x1  }
0xdf: {  	v5 =	vperm.xlane v5, v2;
	v6 =	vadd.s32 v1, v6;
	_ =	sdelay $0x1  }
0xe0: {  	v5 =	vadd.s32 v1, v5;
	_ =	sdelay $0x2  }
0xe1: {  	[tilespmem:s16], [sflag:$0x1] =	stream.indirect_vreg.gather [hbm4b:s1+s3], $0x80, v6, vm0, $0xb8;
	[tilespmem:$0xA200] =	vst v63  }
0xe2: {  	_ = 	snop  }
0xe3: {  	[tilespmem:s17], [sflag:$0x1] =	stream.indirect_vreg.gather [hbm4b:s1+s3], $0x80, v5, vm0, $0xb8;
	[tilespmem:$0xA200] =	vst v63  }
0xe4: {  	v5 =	vld [tilespmem:$0x130];
	_ =	sdelay $0x4  }
0xe5: {  	v6 =	vshll.u32 v5, $0x1  }
0xe6: {  	v5 =	vand.u32 $0x7, v5;
	v6 =	vand.u32 $0xFFFFFFF0, v6  }
0xe7: {  	v5 =	vor.u32 v5, v6  }
0xe8: {  	v6 =	vperm.xlane v5, v0;
	_ =	sdelay $0x1  }
0xe9: {  	v5 =	vperm.xlane v5, v2;
	v6 =	vadd.s32 v1, v6;
	_ =	sdelay $0x1  }
0xea: {  	v5 =	vadd.s32 v1, v5;
	_ =	sdelay $0x2  }
0xeb: {  	[tilespmem:s18], [sflag:$0x1] =	stream.indirect_vreg.gather [hbm4b:s1+s3], $0x80, v6, vm0, $0xb8;
	[tilespmem:$0xA200] =	vst v63  }
0xec: {  	_ = 	snop  }
0xed: {  	[tilespmem:s19], [sflag:$0x1] =	stream.indirect_vreg.gather [hbm4b:s1+s3], $0x80, v5, vm0, $0xb8;
	[tilespmem:$0xA200] =	vst v63  }
0xee: {  	v5 =	vld [tilespmem:$0x140];
	_ =	sdelay $0x4  }
0xef: {  	v6 =	vshll.u32 v5, $0x1  }
0xf0: {  	v5 =	vand.u32 $0x7, v5;
	v6 =	vand.u32 $0xFFFFFFF0, v6  }
0xf1: {  	v5 =	vor.u32 v5, v6  }
0xf2: {  	v6 =	vperm.xlane v5, v0;
	_ =	sdelay $0x1  }
0xf3: {  	v5 =	vperm.xlane v5, v2;
	v6 =	vadd.s32 v1, v6;
	_ =	sdelay $0x1  }
0xf4: {  	v5 =	vadd.s32 v1, v5;
	_ =	sdelay $0x2  }
0xf5: {  	[tilespmem:s20], [sflag:$0x1] =	stream.indirect_vreg.gather [hbm4b:s1+s3], $0x80, v6, vm0, $0xb8;
	[tilespmem:$0xA200] =	vst v63  }
0xf6: {  	_ = 	snop  }
0xf7: {  	[tilespmem:s21], [sflag:$0x1] =	stream.indirect_vreg.gather [hbm4b:s1+s3], $0x80, v5, vm0, $0xb8;
	[tilespmem:$0xA200] =	vst v63  }
0xf8: {  	v5 =	vld [tilespmem:$0x150];
	_ =	sdelay $0x4  }
0xf9: {  	v6 =	vshll.u32 v5, $0x1  }
0xfa: {  	v5 =	vand.u32 $0x7, v5;
	v6 =	vand.u32 $0xFFFFFFF0, v6  }
0xfb: {  	v5 =	vor.u32 v5, v6  }
0xfc: {  	v6 =	vperm.xlane v5, v0;
	_ =	sdelay $0x1  }
0xfd: {  	v5 =	vperm.xlane v5, v2;
	v6 =	vadd.s32 v1, v6;
	_ =	sdelay $0x1  }
0xfe: {  	v5 =	vadd.s32 v1, v5;
	_ =	sdelay $0x2  }
0xff: {  	[tilespmem:s22], [sflag:$0x1] =	stream.indirect_vreg.gather [hbm4b:s1+s3], $0x80, v6, vm0, $0xb8;
	[tilespmem:$0xA200] =	vst v63  }
0x100: {  	_ = 	snop  }
0x101: {  	[tilespmem:s23], [sflag:$0x1] =	stream.indirect_vreg.gather [hbm4b:s1+s3], $0x80, v5, vm0, $0xb8;
	[tilespmem:$0xA200] =	vst v63  }
0x102: {  	v5 =	vld [tilespmem:$0x160];
	_ =	sdelay $0x4  }
0x103: {  	v6 =	vshll.u32 v5, $0x1  }
0x104: {  	v5 =	vand.u32 $0x7, v5;
	v6 =	vand.u32 $0xFFFFFFF0, v6  }
0x105: {  	v5 =	vor.u32 v5, v6  }
0x106: {  	v6 =	vperm.xlane v5, v0;
	_ =	sdelay $0x1  }
0x107: {  	v5 =	vperm.xlane v5, v2;
	v6 =	vadd.s32 v1, v6;
	_ =	sdelay $0x1  }
0x108: {  	v5 =	vadd.s32 v1, v5;
	_ =	sdelay $0x2  }
0x109: {  	[tilespmem:s24], [sflag:$0x1] =	stream.indirect_vreg.gather [hbm4b:s1+s3], $0x80, v6, vm0, $0xb8;
	[tilespmem:$0xA200] =	vst v63  }
0x10a: {  	_ = 	snop  }
0x10b: {  	[tilespmem:s25], [sflag:$0x1] =	stream.indirect_vreg.gather [hbm4b:s1+s3], $0x80, v5, vm0, $0xb8;
	[tilespmem:$0xA200] =	vst v63  }
0x10c: {  	v5 =	vld [tilespmem:$0x170];
	_ =	sdelay $0x4  }
0x10d: {  	v6 =	vshll.u32 v5, $0x1  }
0x10e: {  	v5 =	vand.u32 $0x7, v5;
	v6 =	vand.u32 $0xFFFFFFF0, v6  }
0x10f: {  	v5 =	vor.u32 v5, v6  }
0x110: {  	v6 =	vperm.xlane v5, v0;
	_ =	sdelay $0x1  }
0x111: {  	v5 =	vperm.xlane v5, v2;
	v6 =	vadd.s32 v1, v6;
	_ =	sdelay $0x1  }
0x112: {  	v5 =	vadd.s32 v1, v5;
	_ =	sdelay $0x2  }
0x113: {  	[tilespmem:s26], [sflag:$0x1] =	stream.indirect_vreg.gather [hbm4b:s1+s3], $0x80, v6, vm0, $0xb8;
	[tilespmem:$0xA200] =	vst v63  }
0x114: {  	_ = 	snop  }
0x115: {  	[tilespmem:s28], [sflag:$0x1] =	stream.indirect_vreg.gather [hbm4b:s1+s3], $0x80, v5, vm0, $0xb8;
	[tilespmem:$0xA200] =	vst v63  }
0x116: {  	_ =	swait.ge [sflag:s29], $0x8000  }
0x117: {  	[sflag:s29] =	ssyncset.done $0x0  }
0x118: {  	[sflag:s29] =	ssyncadd.s32 $0xFFFF8000  }
0x119: {  	[hbm4b:s7+s3] =	stream.linear.scatter [tilespmem:s12], [sflag:$0x2], $0x8000, $0x38;
	[tilespmem:$0xA200] =	vst v63  }
0x11a: {  	_ =	swait.ge [sflag:s11], $0x8000  }
0x11b: {  	[sflag:s11] =	ssyncset.done $0x0  }
0x11c: {  	[sflag:s11] =	ssyncadd.s32 $0xFFFF8000  }
0x11d: {  	v5 =	vld [tilespmem:$0x180];
	_ =	sdelay $0x4  }
0x11e: {  	v6 =	vshll.u32 v5, $0x1  }
0x11f: {  	v5 =	vand.u32 $0x7, v5;
	v6 =	vand.u32 $0xFFFFFFF0, v6  }
0x120: {  	v5 =	vor.u32 v5, v6  }
0x121: {  	v6 =	vperm.xlane v5, v0;
	_ =	sdelay $0x1  }
0x122: {  	v5 =	vperm.xlane v5, v2;
	v6 =	vadd.s32 v1, v6;
	_ =	sdelay $0x1  }
0x123: {  	v5 =	vadd.s32 v1, v5;
	_ =	sdelay $0x2  }
0x124: {  	[tilespmem:s12], [sflag:$0x1] =	stream.indirect_vreg.gather [hbm4b:s1+s3], $0x80, v6, vm0, $0xb8;
	[tilespmem:$0xA200] =	vst v63  }
0x125: {  	_ = 	snop  }
0x126: {  	[tilespmem:s13], [sflag:$0x1] =	stream.indirect_vreg.gather [hbm4b:s1+s3], $0x80, v5, vm0, $0xb8;
	[tilespmem:$0xA200] =	vst v63  }
0x127: {  	v5 =	vld [tilespmem:$0x190];
	_ =	sdelay $0x4  }
0x128: {  	v6 =	vshll.u32 v5, $0x1  }
0x129: {  	v5 =	vand.u32 $0x7, v5;
	v6 =	vand.u32 $0xFFFFFFF0, v6  }
0x12a: {  	v5 =	vor.u32 v5, v6  }
0x12b: {  	v6 =	vperm.xlane v5, v0;
	_ =	sdelay $0x1  }
0x12c: {  	v5 =	vperm.xlane v5, v2;
	v6 =	vadd.s32 v1, v6;
	_ =	sdelay $0x1  }
0x12d: {  	v5 =	vadd.s32 v1, v5;
	_ =	sdelay $0x2  }
0x12e: {  	[tilespmem:s14], [sflag:$0x1] =	stream.indirect_vreg.gather [hbm4b:s1+s3], $0x80, v6, vm0, $0xb8;
	[tilespmem:$0xA200] =	vst v63  }
0x12f: {  	_ = 	snop  }
0x130: {  	[tilespmem:s15], [sflag:$0x1] =	stream.indirect_vreg.gather [hbm4b:s1+s3], $0x80, v5, vm0, $0xb8;
	[tilespmem:$0xA200] =	vst v63  }
0x131: {  	v5 =	vld [tilespmem:$0x1A0];
	_ =	sdelay $0x4  }
0x132: {  	v6 =	vshll.u32 v5, $0x1  }
0x133: {  	v5 =	vand.u32 $0x7, v5;
	v6 =	vand.u32 $0xFFFFFFF0, v6  }
0x134: {  	v5 =	vor.u32 v5, v6  }
0x135: {  	v6 =	vperm.xlane v5, v0;
	_ =	sdelay $0x1  }
0x136: {  	v5 =	vperm.xlane v5, v2;
	v6 =	vadd.s32 v1, v6;
	_ =	sdelay $0x1  }
0x137: {  	v5 =	vadd.s32 v1, v5;
	_ =	sdelay $0x2  }
0x138: {  	[tilespmem:s16], [sflag:$0x1] =	stream.indirect_vreg.gather [hbm4b:s1+s3], $0x80, v6, vm0, $0xb8;
	[tilespmem:$0xA200] =	vst v63  }
0x139: {  	_ = 	snop  }
0x13a: {  	[tilespmem:s17], [sflag:$0x1] =	stream.indirect_vreg.gather [hbm4b:s1+s3], $0x80, v5, vm0, $0xb8;
	[tilespmem:$0xA200] =	vst v63  }
0x13b: {  	v5 =	vld [tilespmem:$0x1B0];
	_ =	sdelay $0x4  }
0x13c: {  	v6 =	vshll.u32 v5, $0x1  }
0x13d: {  	v5 =	vand.u32 $0x7, v5;
	v6 =	vand.u32 $0xFFFFFFF0, v6  }
0x13e: {  	v5 =	vor.u32 v5, v6  }
0x13f: {  	v6 =	vperm.xlane v5, v0;
	_ =	sdelay $0x1  }
0x140: {  	v5 =	vperm.xlane v5, v2;
	v6 =	vadd.s32 v1, v6;
	_ =	sdelay $0x1  }
0x141: {  	v5 =	vadd.s32 v1, v5;
	_ =	sdelay $0x2  }
0x142: {  	[tilespmem:s18], [sflag:$0x1] =	stream.indirect_vreg.gather [hbm4b:s1+s3], $0x80, v6, vm0, $0xb8;
	[tilespmem:$0xA200] =	vst v63  }
0x143: {  	_ = 	snop  }
0x144: {  	[tilespmem:s19], [sflag:$0x1] =	stream.indirect_vreg.gather [hbm4b:s1+s3], $0x80, v5, vm0, $0xb8;
	[tilespmem:$0xA200] =	vst v63  }
0x145: {  	v5 =	vld [tilespmem:$0x1C0];
	_ =	sdelay $0x4  }
0x146: {  	v6 =	vshll.u32 v5, $0x1  }
0x147: {  	v5 =	vand.u32 $0x7, v5;
	v6 =	vand.u32 $0xFFFFFFF0, v6  }
0x148: {  	v5 =	vor.u32 v5, v6  }
0x149: {  	v6 =	vperm.xlane v5, v0;
	_ =	sdelay $0x1  }
0x14a: {  	v5 =	vperm.xlane v5, v2;
	v6 =	vadd.s32 v1, v6;
	_ =	sdelay $0x1  }
0x14b: {  	v5 =	vadd.s32 v1, v5;
	_ =	sdelay $0x2  }
0x14c: {  	[tilespmem:s20], [sflag:$0x1] =	stream.indirect_vreg.gather [hbm4b:s1+s3], $0x80, v6, vm0, $0xb8;
	[tilespmem:$0xA200] =	vst v63  }
0x14d: {  	_ = 	snop  }
0x14e: {  	[tilespmem:s21], [sflag:$0x1] =	stream.indirect_vreg.gather [hbm4b:s1+s3], $0x80, v5, vm0, $0xb8;
	[tilespmem:$0xA200] =	vst v63  }
0x14f: {  	v5 =	vld [tilespmem:$0x1D0];
	_ =	sdelay $0x4  }
0x150: {  	v6 =	vshll.u32 v5, $0x1  }
0x151: {  	v5 =	vand.u32 $0x7, v5;
	v6 =	vand.u32 $0xFFFFFFF0, v6  }
0x152: {  	v5 =	vor.u32 v5, v6  }
0x153: {  	v6 =	vperm.xlane v5, v0;
	_ =	sdelay $0x1  }
0x154: {  	v5 =	vperm.xlane v5, v2;
	v6 =	vadd.s32 v1, v6;
	_ =	sdelay $0x1  }
0x155: {  	v5 =	vadd.s32 v1, v5;
	_ =	sdelay $0x2  }
0x156: {  	[tilespmem:s22], [sflag:$0x1] =	stream.indirect_vreg.gather [hbm4b:s1+s3], $0x80, v6, vm0, $0xb8;
	[tilespmem:$0xA200] =	vst v63  }
0x157: {  	_ = 	snop  }
0x158: {  	[tilespmem:s23], [sflag:$0x1] =	stream.indirect_vreg.gather [hbm4b:s1+s3], $0x80, v5, vm0, $0xb8;
	[tilespmem:$0xA200] =	vst v63  }
0x159: {  	v5 =	vld [tilespmem:$0x1E0];
	_ =	sdelay $0x4  }
0x15a: {  	v6 =	vshll.u32 v5, $0x1  }
0x15b: {  	v5 =	vand.u32 $0x7, v5;
	v6 =	vand.u32 $0xFFFFFFF0, v6  }
0x15c: {  	v5 =	vor.u32 v5, v6  }
0x15d: {  	v6 =	vperm.xlane v5, v0;
	_ =	sdelay $0x1  }
0x15e: {  	v5 =	vperm.xlane v5, v2;
	v6 =	vadd.s32 v1, v6;
	_ =	sdelay $0x1  }
0x15f: {  	v5 =	vadd.s32 v1, v5;
	_ =	sdelay $0x2  }
0x160: {  	[tilespmem:s24], [sflag:$0x1] =	stream.indirect_vreg.gather [hbm4b:s1+s3], $0x80, v6, vm0, $0xb8;
	[tilespmem:$0xA200] =	vst v63  }
0x161: {  	_ = 	snop  }
0x162: {  	[tilespmem:s25], [sflag:$0x1] =	stream.indirect_vreg.gather [hbm4b:s1+s3], $0x80, v5, vm0, $0xb8;
	[tilespmem:$0xA200] =	vst v63  }
0x163: {  	v5 =	vld [tilespmem:$0x1F0];
	_ =	sdelay $0x4  }
0x164: {  	v6 =	vshll.u32 v5, $0x1  }
0x165: {  	v5 =	vand.u32 $0x7, v5;
	v6 =	vand.u32 $0xFFFFFFF0, v6  }
0x166: {  	v5 =	vor.u32 v5, v6  }
0x167: {  	v6 =	vperm.xlane v5, v0;
	_ =	sdelay $0x1  }
0x168: {  	v5 =	vperm.xlane v5, v2;
	v6 =	vadd.s32 v1, v6;
	_ =	sdelay $0x1  }
0x169: {  	v5 =	vadd.s32 v1, v5;
	_ =	sdelay $0x2  }
0x16a: {  	[tilespmem:s26], [sflag:$0x1] =	stream.indirect_vreg.gather [hbm4b:s1+s3], $0x80, v6, vm0, $0xb8;
	[tilespmem:$0xA200] =	vst v63  }
0x16b: {  	_ = 	snop  }
0x16c: {  	[tilespmem:s28], [sflag:$0x1] =	stream.indirect_vreg.gather [hbm4b:s1+s3], $0x80, v5, vm0, $0xb8;
	[tilespmem:$0xA200] =	vst v63  }
0x16d: {  	_ =	swait.ge [sflag:s29], $0x8000  }
0x16e: {  	[sflag:s29] =	ssyncset.done $0x0  }
0x16f: {  	[sflag:s29] =	ssyncadd.s32 $0xFFFF8000  }
0x170: {  	[hbm4b:s8+s3] =	stream.linear.scatter [tilespmem:s12], [sflag:$0x2], $0x8000, $0x38;
	[tilespmem:$0xA200] =	vst v63  }
0x171: {  	_ =	swait.ge [sflag:s11], $0x8000  }
0x172: {  	[sflag:s11] =	ssyncset.done $0x0  }
0x173: {  	s31 =	simm.s32 $0x40;
	s0 =	simm.s32 $0x0;
	[sflag:s11] =	ssyncadd.s32 $0xFFFF8000  }
.LBB2_2:
0x174: {  	p0 =	sne.s32 s31, $0x7FC0;
	[tilespmem:s0+$0x8200] =	vst v3;
	s0 =	smov.u32 s31;
	s31 =	sadd.s32 $0x40, s31  }
.Ltmp0:
0x175: {  	(pc) =	sbr.rel @p0 .LBB2_2-.Ltmp0, $2  }
0x176: {  	_ =	sdelay $0x2  }
0x177: {  	s0 =	sshra.s32 s0, $0x2  }
0x178: {  	[tilespmem:s0+$0x8200] =	vst v3  }
0x179: {  	v5 =	vld [tilespmem:$0x0];
	_ =	sdelay $0x7  }
0x17a: {  	[tilespmem:v5+s30+$0x0] =	vst.idx.add.f32.msk $0xffff, v4  }
0x17b: {  	v5 =	vld [tilespmem:$0x10];
	_ =	sdelay $0x7  }
0x17c: {  	[tilespmem:v5+s30+$0x0] =	vst.idx.add.f32.msk $0xffff, v4  }
0x17d: {  	v5 =	vld [tilespmem:$0x20];
	_ =	sdelay $0x7  }
0x17e: {  	[tilespmem:v5+s30+$0x0] =	vst.idx.add.f32.msk $0xffff, v4  }
0x17f: {  	v5 =	vld [tilespmem:$0x30];
	_ =	sdelay $0x7  }
0x180: {  	[tilespmem:v5+s30+$0x0] =	vst.idx.add.f32.msk $0xffff, v4  }
0x181: {  	v5 =	vld [tilespmem:$0x40];
	_ =	sdelay $0x7  }
0x182: {  	[tilespmem:v5+s30+$0x0] =	vst.idx.add.f32.msk $0xffff, v4  }
0x183: {  	v5 =	vld [tilespmem:$0x50];
	_ =	sdelay $0x7  }
0x184: {  	[tilespmem:v5+s30+$0x0] =	vst.idx.add.f32.msk $0xffff, v4  }
0x185: {  	v5 =	vld [tilespmem:$0x60];
	_ =	sdelay $0x7  }
0x186: {  	[tilespmem:v5+s30+$0x0] =	vst.idx.add.f32.msk $0xffff, v4  }
0x187: {  	v5 =	vld [tilespmem:$0x70];
	_ =	sdelay $0x7  }
0x188: {  	[tilespmem:v5+s30+$0x0] =	vst.idx.add.f32.msk $0xffff, v4  }
0x189: {  	v5 =	vld [tilespmem:$0x80];
	_ =	sdelay $0x7  }
0x18a: {  	[tilespmem:v5+s30+$0x0] =	vst.idx.add.f32.msk $0xffff, v4  }
0x18b: {  	v5 =	vld [tilespmem:$0x90];
	_ =	sdelay $0x7  }
0x18c: {  	[tilespmem:v5+s30+$0x0] =	vst.idx.add.f32.msk $0xffff, v4  }
0x18d: {  	v5 =	vld [tilespmem:$0xA0];
	_ =	sdelay $0x7  }
0x18e: {  	[tilespmem:v5+s30+$0x0] =	vst.idx.add.f32.msk $0xffff, v4  }
0x18f: {  	v5 =	vld [tilespmem:$0xB0];
	_ =	sdelay $0x7  }
0x190: {  	[tilespmem:v5+s30+$0x0] =	vst.idx.add.f32.msk $0xffff, v4  }
0x191: {  	v5 =	vld [tilespmem:$0xC0];
	_ =	sdelay $0x7  }
0x192: {  	[tilespmem:v5+s30+$0x0] =	vst.idx.add.f32.msk $0xffff, v4  }
0x193: {  	v5 =	vld [tilespmem:$0xD0];
	_ =	sdelay $0x7  }
0x194: {  	[tilespmem:v5+s30+$0x0] =	vst.idx.add.f32.msk $0xffff, v4  }
0x195: {  	v5 =	vld [tilespmem:$0xE0];
	_ =	sdelay $0x7  }
0x196: {  	[tilespmem:v5+s30+$0x0] =	vst.idx.add.f32.msk $0xffff, v4  }
0x197: {  	v5 =	vld [tilespmem:$0xF0];
	_ =	sdelay $0x7  }
0x198: {  	[tilespmem:v5+s30+$0x0] =	vst.idx.add.f32.msk $0xffff, v4  }
0x199: {  	v5 =	vld [tilespmem:$0x100];
	_ =	sdelay $0x7  }
0x19a: {  	[tilespmem:v5+s30+$0x0] =	vst.idx.add.f32.msk $0xffff, v4  }
0x19b: {  	v5 =	vld [tilespmem:$0x110];
	_ =	sdelay $0x7  }
0x19c: {  	[tilespmem:v5+s30+$0x0] =	vst.idx.add.f32.msk $0xffff, v4  }
0x19d: {  	v5 =	vld [tilespmem:$0x120];
	_ =	sdelay $0x7  }
0x19e: {  	[tilespmem:v5+s30+$0x0] =	vst.idx.add.f32.msk $0xffff, v4  }
0x19f: {  	v5 =	vld [tilespmem:$0x130];
	_ =	sdelay $0x7  }
0x1a0: {  	[tilespmem:v5+s30+$0x0] =	vst.idx.add.f32.msk $0xffff, v4  }
0x1a1: {  	v5 =	vld [tilespmem:$0x140];
	_ =	sdelay $0x7  }
0x1a2: {  	[tilespmem:v5+s30+$0x0] =	vst.idx.add.f32.msk $0xffff, v4  }
0x1a3: {  	v5 =	vld [tilespmem:$0x150];
	_ =	sdelay $0x7  }
0x1a4: {  	[tilespmem:v5+s30+$0x0] =	vst.idx.add.f32.msk $0xffff, v4  }
0x1a5: {  	v5 =	vld [tilespmem:$0x160];
	_ =	sdelay $0x7  }
0x1a6: {  	[tilespmem:v5+s30+$0x0] =	vst.idx.add.f32.msk $0xffff, v4  }
0x1a7: {  	v5 =	vld [tilespmem:$0x170];
	_ =	sdelay $0x7  }
0x1a8: {  	[tilespmem:v5+s30+$0x0] =	vst.idx.add.f32.msk $0xffff, v4  }
0x1a9: {  	v5 =	vld [tilespmem:$0x180];
	_ =	sdelay $0x7  }
0x1aa: {  	[tilespmem:v5+s30+$0x0] =	vst.idx.add.f32.msk $0xffff, v4  }
0x1ab: {  	v5 =	vld [tilespmem:$0x190];
	_ =	sdelay $0x7  }
0x1ac: {  	[tilespmem:v5+s30+$0x0] =	vst.idx.add.f32.msk $0xffff, v4  }
0x1ad: {  	v5 =	vld [tilespmem:$0x1A0];
	_ =	sdelay $0x7  }
0x1ae: {  	[tilespmem:v5+s30+$0x0] =	vst.idx.add.f32.msk $0xffff, v4  }
0x1af: {  	v5 =	vld [tilespmem:$0x1B0];
	_ =	sdelay $0x7  }
0x1b0: {  	[tilespmem:v5+s30+$0x0] =	vst.idx.add.f32.msk $0xffff, v4  }
0x1b1: {  	v5 =	vld [tilespmem:$0x1C0];
	_ =	sdelay $0x7  }
0x1b2: {  	[tilespmem:v5+s30+$0x0] =	vst.idx.add.f32.msk $0xffff, v4  }
0x1b3: {  	v5 =	vld [tilespmem:$0x1D0];
	_ =	sdelay $0x7  }
0x1b4: {  	[tilespmem:v5+s30+$0x0] =	vst.idx.add.f32.msk $0xffff, v4  }
0x1b5: {  	v5 =	vld [tilespmem:$0x1E0];
	_ =	sdelay $0x7  }
0x1b6: {  	[tilespmem:v5+s30+$0x0] =	vst.idx.add.f32.msk $0xffff, v4  }
0x1b7: {  	v5 =	vld [tilespmem:$0x1F0];
	_ =	sdelay $0x5  }
0x1b8: {  	s2 =	sadd.s32 $0x1, s2  }
0x1b9: {  	p0 =	sne.s32 s2, s10  }
.Ltmp1:
0x1ba: {  	s0 =	simm.s32 $0x80;
	s31 =	simm.s32 $0x400;
	[tilespmem:v5+s30+$0x0] =	vst.idx.add.f32.msk $0xffff, v4;
	(pc) =	sbr.rel @p0 .LBB2_1-.Ltmp1, $4  }
0x1bb: {  	[hbm4b:s9+s0] =	stream.strided.scatter [tilespmem:s30], [sflag:$0x2], $0x2000, s31, s0, $0x38;
	[tilespmem:$0xA200] =	vst v63  }
0x1bc: {  	_ =	swait.ge [sflag:s11], $0x2000  }
0x1bd: {  	[sflag:s11] =	ssyncset.done $0x0  }
0x1be: {  	[sflag:s11] =	ssyncadd.s32 $0xFFFFE000  }
0x1bf: {  	_ =	sfence.sel $0x180000  }
0x1c0: {  	[bflag:$0x0] =	sbarrier.arrive $0xFFFF  }
0x1c1: {  	_ =	strace $0x90000047  }
0x1c2: {  	s0 =	stileid.u32;
	[bflag:$0x2] =	sbarrier.arrive $0xFFFF  }
0x1c3: {  	p0 =	sne.s32 s0, $0x0;
	s0 =	rddreg [dreg:$0x3]  }
0x1c4: {  	s0 =	sadd.s32 @!p0 $0x100000, s0  }
0x1c5: {  	[sflag:s0] =	ssyncadd.tile.s32 @!p0 $0x1;
	_ =	shalt  }
.Lfunc_end2:
_tile_overlayer_lowered:
.L_overlay_start_2:
0x1c6: {  	(tag) =	ssettag $0x2  }
0x1c7: {  	s0 =	rddreg [dreg:$0x0];
	s2 =	stileid.u32  }
0x1c8: {  	s1 =	rddreg [dreg:$0x1];
	p0 =	sne.s32 s2, $0x0  }
0x1c9: {  	s3 =	rddreg [dreg:$0x2];
	[bflag:$0x3] =	sbarrier.arrive $0xFFFF;
	s2 =	simm.s32 @!p0 $0x1C02  }
0x1ca: {  	[timem:s3], [sflag:s2] =	dma.local @!p0 [hbm:s0], s1  }
0x1cb: {  	s0 =	simm.s32 @!p0 $0x2  }
0x1cc: {  	_ =	swait.ge @!p0 [sflag:s0], s1  }
0x1cd: {  	s1 =	ssub.s32 @!p0 $0x0, s1;
	[sflag:s0] =	ssyncset.done @!p0 $0x0  }
0x1ce: {  	[sflag:s0] =	ssyncadd.s32 @!p0 s1  }
0x1cf: {  	[bflag:$0x3] =	sbarrier.arrive $0xFFFF  }
0x1d0: {  	_ =	shalt  }

</sc_bundles>
